<compile_context>
chip_gen: v7x
topology: tpu7x:2x2x1
jax: 0.10.2.dev20260603
libtpu: 0.0.44.dev20260713+nightly
codegen_flags: <defaults>
</compile_context>

<pallas_src>
import functools

import jax
import jax.numpy as jnp
from jax import lax
from jax.experimental import pallas as pl
from jax.experimental.pallas import tpu as pltpu
from jax.experimental.pallas import tpu_sc as plsc

EMBED_DIM = 64
BATCH = 16384

_NC = 2
_NS = 16
_NW = _NC * _NS
_BPW = BATCH // _NW
_LANES = 16


def _do_table(table, idx_v, out_hbm, base, rows_v, sem):
    ngroups = _BPW // _LANES
    lane = lax.iota(jnp.int32, _LANES)

    def fire_group(g, carry):
        v = idx_v[pl.ds(g * _LANES, _LANES)]
        for l in range(_LANES):
            r = lax.reduce_max(jnp.where(lane == l, v, 0), axes=(0,))
            pltpu.make_async_copy(
                table.at[pl.ds(r, 1)],
                rows_v.at[pl.ds(g * _LANES + l, 1)],
                sem,
            ).start()
        return carry

    def wait_group(g, carry):
        for l in range(_LANES):
            pltpu.make_async_copy(
                table.at[pl.ds(0, 1)],
                rows_v.at[pl.ds(g * _LANES + l, 1)],
                sem,
            ).wait()
        return carry

    lax.fori_loop(0, ngroups, fire_group, 0)
    lax.fori_loop(0, ngroups, wait_group, 0)
    pltpu.sync_copy(rows_v, out_hbm.at[pl.ds(base, _BPW)])


def _gather_body(ut, it, uidx, iidx, uout, iout, uidx_v, iidx_v, rows_v, sem):
    wid = lax.axis_index("s") * _NC + lax.axis_index("c")
    base = wid * _BPW
    pltpu.sync_copy(uidx.at[pl.ds(base, _BPW)], uidx_v)
    pltpu.sync_copy(iidx.at[pl.ds(base, _BPW)], iidx_v)
    _do_table(ut, uidx_v, uout, base, rows_v, sem)
    _do_table(it, iidx_v, iout, base, rows_v, sem)


@jax.jit
def _gather(user_table, item_table, user_idx, item_idx):
    mesh = plsc.VectorSubcoreMesh(core_axis_name="c", subcore_axis_name="s")
    emb = jax.ShapeDtypeStruct((BATCH, EMBED_DIM), jnp.float32)
    run = pl.kernel(
        _gather_body,
        mesh=mesh,
        out_type=(emb, emb),
        scratch_types=[
            pltpu.VMEM((_BPW,), jnp.int32),
            pltpu.VMEM((_BPW,), jnp.int32),
            pltpu.VMEM((_BPW, EMBED_DIM), jnp.float32),
            pltpu.SemaphoreType.DMA,
        ],
        compiler_params=pltpu.CompilerParams(needs_layout_passes=False),
    )
    return run(user_table, item_table, user_idx, item_idx)


def _mlp_body(u_ref, i_ref, f_ref, w1u_ref, w1i_ref, w1f_ref, b1_ref,
              w2_ref, b2_ref, o_ref):
    h = jnp.dot(u_ref[...], w1u_ref[...], preferred_element_type=jnp.float32)
    h += jnp.dot(i_ref[...], w1i_ref[...], preferred_element_type=jnp.float32)
    f = f_ref[...]
    h += f[:, 0:1] * w1f_ref[0:1, :] + f[:, 1:2] * w1f_ref[1:2, :]
    h = jnp.maximum(h + b1_ref[...], 0.0)
    z = jnp.dot(h, w2_ref[...], preferred_element_type=jnp.float32)
    o_ref[...] = jax.nn.sigmoid(z + b2_ref[...])


_MLP_BLOCK = 2048


@jax.jit
def _mlp(u_emb, i_emb, features, W1u, W1i, W1f, b1, W2, b2):
    nblk = BATCH // _MLP_BLOCK
    batch_spec = lambda w: pl.BlockSpec((_MLP_BLOCK, w), lambda b: (b, 0))
    full_spec = lambda s: pl.BlockSpec(s, lambda b: (0,) * len(s))
    return pl.pallas_call(
        _mlp_body,
        grid=(nblk,),
        in_specs=[
            batch_spec(EMBED_DIM),
            batch_spec(EMBED_DIM),
            batch_spec(2),
            full_spec((EMBED_DIM, EMBED_DIM)),
            full_spec((EMBED_DIM, EMBED_DIM)),
            full_spec((2, EMBED_DIM)),
            full_spec((1, EMBED_DIM)),
            full_spec((EMBED_DIM, 1)),
            full_spec((1, 1)),
        ],
        out_specs=batch_spec(1),
        out_shape=jax.ShapeDtypeStruct((BATCH, 1), jnp.float32),
    )(u_emb, i_emb, features, W1u, W1i, W1f, b1, W2, b2)


def kernel(user_idx, item_idx, features, user_table, item_table, W1, b1, W2, b2):
    u_emb, i_emb = _gather(user_table, item_table,
                           user_idx.astype(jnp.int32), item_idx.astype(jnp.int32))
    W1u = W1[:EMBED_DIM]
    W1i = W1[EMBED_DIM:2 * EMBED_DIM]
    W1f = W1[2 * EMBED_DIM:]
    return _mlp(u_emb, i_emb, features, W1u, W1i, W1f,
                b1.reshape(1, EMBED_DIM), W2, b2.reshape(1, 1))

# --- scband reference (transcript-rebuilt; emitter-appended) ---
"""Pipeline reference for scband-simple-graph-sage-link-predictor-24927990186264 (READ-ONLY COPY).

The authoritative reference and input builder live on the scoring server;
editing this copy changes nothing except your own understanding.
"""

import jax, jax.numpy as jnp
import numpy as np

NUM_USERS = 1000000
NUM_ITEMS = 1000000
EMBED_DIM = 64
BATCH = 16384


def setup_inputs(seed: int = 0) -> dict:
    key = jax.random.key(seed)
    k1, k2, k3, k4, k5, k6, k7, k8, k9 = jax.random.split(key, 9)
    user_idx = jax.random.randint(k1, (BATCH,), 0, NUM_USERS, dtype=jnp.int64 if jax.config.jax_enable_x64 else jnp.int32)
    item_idx = jax.random.randint(k2, (BATCH,), 0, NUM_ITEMS, dtype=jnp.int64 if jax.config.jax_enable_x64 else jnp.int32)
    features = jax.random.normal(k3, (BATCH, 2), dtype=jnp.float32)
    user_table = jax.random.normal(k4, (NUM_USERS, EMBED_DIM), dtype=jnp.float32) * 0.05
    item_table = jax.random.normal(k5, (NUM_ITEMS, EMBED_DIM), dtype=jnp.float32) * 0.05
    in1 = EMBED_DIM * 2 + 2
    W1 = jax.random.normal(k6, (in1, 64), dtype=jnp.float32) * (1.0 / np.sqrt(in1))
    b1 = jax.random.normal(k7, (64,), dtype=jnp.float32) * 0.01
    W2 = jax.random.normal(k8, (64, 1), dtype=jnp.float32) * (1.0 / np.sqrt(64))
    b2 = jax.random.normal(k9, (1,), dtype=jnp.float32) * 0.01
    return {"user_idx": user_idx, "item_idx": item_idx, "features": features,
            "user_table": user_table, "item_table": item_table,
            "W1": W1, "b1": b1, "W2": W2, "b2": b2}


def reference(user_idx, item_idx, features, user_table, item_table, W1, b1, W2, b2):
    u_emb = jnp.take(user_table, user_idx, axis=0)
    i_emb = jnp.take(item_table, item_idx, axis=0)
    x = jnp.concatenate([u_emb, i_emb, features], axis=1)
    x = jax.nn.relu(x @ W1 + b1)
    x = jax.nn.sigmoid(x @ W2 + b2)
    return x

if __name__ == "__main__":
    import jax
    _d = setup_inputs()
    print(jax.jit(kernel)(*tuple(_d.values())))

</pallas_src>

<mosaic_0001>
#map = affine_map<(d0, d1) -> (0, 0)>
#map1 = affine_map<(d0, d1) -> (0)>
module attributes {stable_mosaic.version = 14 : i64} {
  func.func @_gather_body(%arg0: i32, %arg1: i32, %arg2: memref<1000000x64xf32, #tpu.memory_space<hbm>>, %arg3: memref<1000000x64xf32, #tpu.memory_space<hbm>>, %arg4: memref<16384xi32, #tpu.memory_space<hbm>>, %arg5: memref<16384xi32, #tpu.memory_space<hbm>>, %arg6: memref<16384x64xf32, #tpu.memory_space<hbm>>, %arg7: memref<16384x64xf32, #tpu.memory_space<hbm>>, %arg8: memref<512xi32, #tpu.memory_space<vmem>>, %arg9: memref<512xi32, #tpu.memory_space<vmem>>, %arg10: memref<512x64xf32, #tpu.memory_space<vmem>>, %arg11: memref<!tpu.dma_semaphore, #tpu.memory_space<semaphore_mem>>) attributes {dimension_semantics = [#tpu.dimension_semantics<core_parallel>, #tpu.dimension_semantics<subcore_parallel>], iteration_bounds = array<i64: 2, 16>, scalar_prefetch = 0 : i64, scratch_operands = 4 : i64, tpu.core_type = #tpu.core_type<sc_vector_subcore>, window_params = [{transform_indices = #map}, {transform_indices = #map}, {transform_indices = #map1}, {transform_indices = #map1}, {transform_indices = #map}, {transform_indices = #map}]} {
    %mul3A = arith.constant 2 : i32
    %mul3A_0 = arith.muli %arg1, %mul3A : i32
    %add3A = arith.addi %mul3A_0, %arg0 : i32
    %mul3A_1 = arith.constant 512 : i32
    %mul3A_2 = arith.muli %add3A, %mul3A_1 : i32
    "tpu.region"() ({
      %run_scoped3A = tpu.sem_alloc : memref<!tpu.dma_semaphore, #tpu.memory_space<semaphore_mem>>
      %dma_start3A = tpu.memref_slice %arg4[%mul3A_2] : memref<16384xi32, #tpu.memory_space<hbm>> -> memref<512xi32, #tpu.memory_space<hbm>>
      %dma_start3A_27 = tpu.memref_slice %arg4[%mul3A_2] : memref<16384xi32, #tpu.memory_space<hbm>> -> memref<512xi32, #tpu.memory_space<hbm>>
      tpu.enqueue_dma source(%dma_start3A_27 : memref<512xi32, #tpu.memory_space<hbm>>) target(%arg8 : memref<512xi32, #tpu.memory_space<vmem>>) target_semaphore(%run_scoped3A : memref<!tpu.dma_semaphore, #tpu.memory_space<semaphore_mem>>)
      %dma_wait3A = tpu.memref_slice %arg4[%mul3A_2] : memref<16384xi32, #tpu.memory_space<hbm>> -> memref<512xi32, #tpu.memory_space<hbm>>
      %dma_wait3A_28 = tpu.memref_slice %arg4[%mul3A_2] : memref<16384xi32, #tpu.memory_space<hbm>> -> memref<512xi32, #tpu.memory_space<hbm>>
      tpu.wait_dma2 semaphore(%run_scoped3A : memref<!tpu.dma_semaphore, #tpu.memory_space<semaphore_mem>>) src(%dma_wait3A_28 : memref<512xi32, #tpu.memory_space<hbm>>) dst(%arg8 : memref<512xi32, #tpu.memory_space<vmem>>)
      tpu.yield
    }) : () -> ()
    "tpu.region"() ({
      %run_scoped3A = tpu.sem_alloc : memref<!tpu.dma_semaphore, #tpu.memory_space<semaphore_mem>>
      %dma_start3A = tpu.memref_slice %arg5[%mul3A_2] : memref<16384xi32, #tpu.memory_space<hbm>> -> memref<512xi32, #tpu.memory_space<hbm>>
      %dma_start3A_27 = tpu.memref_slice %arg5[%mul3A_2] : memref<16384xi32, #tpu.memory_space<hbm>> -> memref<512xi32, #tpu.memory_space<hbm>>
      tpu.enqueue_dma source(%dma_start3A_27 : memref<512xi32, #tpu.memory_space<hbm>>) target(%arg9 : memref<512xi32, #tpu.memory_space<vmem>>) target_semaphore(%run_scoped3A : memref<!tpu.dma_semaphore, #tpu.memory_space<semaphore_mem>>)
      %dma_wait3A = tpu.memref_slice %arg5[%mul3A_2] : memref<16384xi32, #tpu.memory_space<hbm>> -> memref<512xi32, #tpu.memory_space<hbm>>
      %dma_wait3A_28 = tpu.memref_slice %arg5[%mul3A_2] : memref<16384xi32, #tpu.memory_space<hbm>> -> memref<512xi32, #tpu.memory_space<hbm>>
      tpu.wait_dma2 semaphore(%run_scoped3A : memref<!tpu.dma_semaphore, #tpu.memory_space<semaphore_mem>>) src(%dma_wait3A_28 : memref<512xi32, #tpu.memory_space<hbm>>) dst(%arg9 : memref<512xi32, #tpu.memory_space<vmem>>)
      tpu.yield
    }) : () -> ()
    %iota3A = tpu.iota {dimensions = array<i32: 0>} : vector<16xi32>
    %scan3A = arith.constant 0 : i32
    %scan3A_3 = arith.constant 0 : i32
    %scan3A_4 = arith.constant 32 : i32
    %scan3A_5 = arith.addi %scan3A_3, %scan3A_4 : i32
    %scan3A_6 = arith.constant 1 : i32
    scf.for %scan3A_27 = %scan3A_3 to %scan3A_5 step %scan3A_6  : i32 {
      %mul3A_28 = arith.constant 16 : i32
      %mul3A_29 = arith.muli %scan3A_27, %mul3A_28 : i32
      %get3A = arith.index_cast %mul3A_29 : i32 to index
      %get3A_30 = tpu.vector_load %arg8[%get3A] {strides = array<i32>} : memref<512xi32, #tpu.memory_space<vmem>>, vector<16xi32>,
      %eq3A = arith.constant 0 : i32
      %eq3A_31 = vector.broadcast %eq3A : i32 to vector<16xi32>
      %eq3A_32 = arith.cmpi eq, %iota3A, %eq3A_31 : vector<16xi32>
      %jit3A = arith.constant 0 : i32
      %broadcast_in_dim3A = vector.broadcast %jit3A : i32 to vector<16xi32>
      %select_n3A = arith.select %eq3A_32, %get3A_30, %broadcast_in_dim3A : vector<16xi1>, vector<16xi32>
      %reduce_max3A = arith.constant true
      %reduce_max3A_33 = vector.broadcast %reduce_max3A : i1 to vector<16xi1>
      %reduce_max3A_34 = arith.constant -2147483648 : i32
      %reduce_max3A_35 = vector.broadcast %reduce_max3A_34 : i32 to vector<16xi32>
      %reduce_max3A_36 = arith.xori %select_n3A, %reduce_max3A_35 : vector<16xi32>
      %reduce_max3A_37 = tpu.scan <max>, %reduce_max3A_36 masked %reduce_max3A_33 : vector<16xi32>, vector<16xi1> -> vector<16xi32>
      %reduce_max3A_38 = arith.xori %reduce_max3A_37, %reduce_max3A_35 : vector<16xi32>
      %reduce_max3A_39 = vector.extract %reduce_max3A_38[15] : i32 from vector<16xi32>
      %mul3A_40 = arith.constant 16 : i32
      %mul3A_41 = arith.muli %scan3A_27, %mul3A_40 : i32
      %add3A_42 = arith.constant 0 : i32
      %add3A_43 = arith.addi %mul3A_41, %add3A_42 : i32
      %dma_start3A = arith.constant 0 : i32
      %dma_start3A_44 = tpu.memref_slice %arg10[%add3A_43, %dma_start3A] : memref<512x64xf32, #tpu.memory_space<vmem>> -> memref<1x64xf32, #tpu.memory_space<vmem>>
      %dma_start3A_45 = arith.constant 0 : i32
      %dma_start3A_46 = tpu.memref_slice %arg2[%reduce_max3A_39, %dma_start3A_45] : memref<1000000x64xf32, #tpu.memory_space<hbm>> -> memref<1x64xf32, #tpu.memory_space<hbm>>
      %dma_start3A_47 = arith.constant 0 : i32
      %dma_start3A_48 = tpu.memref_slice %arg10[%add3A_43, %dma_start3A_47] : memref<512x64xf32, #tpu.memory_space<vmem>> -> memref<1x64xf32, #tpu.memory_space<vmem>>
      %dma_start3A_49 = arith.constant 0 : i32
      %dma_start3A_50 = tpu.memref_slice %arg2[%reduce_max3A_39, %dma_start3A_49] : memref<1000000x64xf32, #tpu.memory_space<hbm>> -> memref<1x64xf32, #tpu.memory_space<hbm>>
      tpu.enqueue_dma source(%dma_start3A_50 : memref<1x64xf32, #tpu.memory_space<hbm>>) target(%dma_start3A_48 : memref<1x64xf32, #tpu.memory_space<vmem>>) target_semaphore(%arg11 : memref<!tpu.dma_semaphore, #tpu.memory_space<semaphore_mem>>)
      %eq3A_51 = arith.constant 1 : i32
      %eq3A_52 = vector.broadcast %eq3A_51 : i32 to vector<16xi32>
      %eq3A_53 = arith.cmpi eq, %iota3A, %eq3A_52 : vector<16xi32>
      %jit3A_54 = arith.constant 0 : i32
      %broadcast_in_dim3A_55 = vector.broadcast %jit3A_54 : i32 to vector<16xi32>
      %select_n3A_56 = arith.select %eq3A_53, %get3A_30, %broadcast_in_dim3A_55 : vector<16xi1>, vector<16xi32>
      %reduce_max3A_57 = arith.constant true
      %reduce_max3A_58 = vector.broadcast %reduce_max3A_57 : i1 to vector<16xi1>
      %reduce_max3A_59 = arith.constant -2147483648 : i32
      %reduce_max3A_60 = vector.broadcast %reduce_max3A_59 : i32 to vector<16xi32>
      %reduce_max3A_61 = arith.xori %select_n3A_56, %reduce_max3A_60 : vector<16xi32>
      %reduce_max3A_62 = tpu.scan <max>, %reduce_max3A_61 masked %reduce_max3A_58 : vector<16xi32>, vector<16xi1> -> vector<16xi32>
      %reduce_max3A_63 = arith.xori %reduce_max3A_62, %reduce_max3A_60 : vector<16xi32>
      %reduce_max3A_64 = vector.extract %reduce_max3A_63[15] : i32 from vector<16xi32>
      %mul3A_65 = arith.constant 16 : i32
      %mul3A_66 = arith.muli %scan3A_27, %mul3A_65 : i32
      %add3A_67 = arith.constant 1 : i32
      %add3A_68 = arith.addi %mul3A_66, %add3A_67 : i32
      %dma_start3A_69 = arith.constant 0 : i32
      %dma_start3A_70 = tpu.memref_slice %arg10[%add3A_68, %dma_start3A_69] : memref<512x64xf32, #tpu.memory_space<vmem>> -> memref<1x64xf32, #tpu.memory_space<vmem>>
      %dma_start3A_71 = arith.constant 0 : i32
      %dma_start3A_72 = tpu.memref_slice %arg2[%reduce_max3A_64, %dma_start3A_71] : memref<1000000x64xf32, #tpu.memory_space<hbm>> -> memref<1x64xf32, #tpu.memory_space<hbm>>
      %dma_start3A_73 = arith.constant 0 : i32
      %dma_start3A_74 = tpu.memref_slice %arg10[%add3A_68, %dma_start3A_73] : memref<512x64xf32, #tpu.memory_space<vmem>> -> memref<1x64xf32, #tpu.memory_space<vmem>>
      %dma_start3A_75 = arith.constant 0 : i32
      %dma_start3A_76 = tpu.memref_slice %arg2[%reduce_max3A_64, %dma_start3A_75] : memref<1000000x64xf32, #tpu.memory_space<hbm>> -> memref<1x64xf32, #tpu.memory_space<hbm>>
      tpu.enqueue_dma source(%dma_start3A_76 : memref<1x64xf32, #tpu.memory_space<hbm>>) target(%dma_start3A_74 : memref<1x64xf32, #tpu.memory_space<vmem>>) target_semaphore(%arg11 : memref<!tpu.dma_semaphore, #tpu.memory_space<semaphore_mem>>)
      %eq3A_77 = arith.constant 2 : i32
      %eq3A_78 = vector.broadcast %eq3A_77 : i32 to vector<16xi32>
      %eq3A_79 = arith.cmpi eq, %iota3A, %eq3A_78 : vector<16xi32>
      %jit3A_80 = arith.constant 0 : i32
      %broadcast_in_dim3A_81 = vector.broadcast %jit3A_80 : i32 to vector<16xi32>
      %select_n3A_82 = arith.select %eq3A_79, %get3A_30, %broadcast_in_dim3A_81 : vector<16xi1>, vector<16xi32>
      %reduce_max3A_83 = arith.constant true
      %reduce_max3A_84 = vector.broadcast %reduce_max3A_83 : i1 to vector<16xi1>
      %reduce_max3A_85 = arith.constant -2147483648 : i32
      %reduce_max3A_86 = vector.broadcast %reduce_max3A_85 : i32 to vector<16xi32>
      %reduce_max3A_87 = arith.xori %select_n3A_82, %reduce_max3A_86 : vector<16xi32>
      %reduce_max3A_88 = tpu.scan <max>, %reduce_max3A_87 masked %reduce_max3A_84 : vector<16xi32>, vector<16xi1> -> vector<16xi32>
      %reduce_max3A_89 = arith.xori %reduce_max3A_88, %reduce_max3A_86 : vector<16xi32>
      %reduce_max3A_90 = vector.extract %reduce_max3A_89[15] : i32 from vector<16xi32>
      %mul3A_91 = arith.constant 16 : i32
      %mul3A_92 = arith.muli %scan3A_27, %mul3A_91 : i32
      %add3A_93 = arith.constant 2 : i32
      %add3A_94 = arith.addi %mul3A_92, %add3A_93 : i32
      %dma_start3A_95 = arith.constant 0 : i32
      %dma_start3A_96 = tpu.memref_slice %arg10[%add3A_94, %dma_start3A_95] : memref<512x64xf32, #tpu.memory_space<vmem>> -> memref<1x64xf32, #tpu.memory_space<vmem>>
      %dma_start3A_97 = arith.constant 0 : i32
      %dma_start3A_98 = tpu.memref_slice %arg2[%reduce_max3A_90, %dma_start3A_97] : memref<1000000x64xf32, #tpu.memory_space<hbm>> -> memref<1x64xf32, #tpu.memory_space<hbm>>
      %dma_start3A_99 = arith.constant 0 : i32
      %dma_start3A_100 = tpu.memref_slice %arg10[%add3A_94, %dma_start3A_99] : memref<512x64xf32, #tpu.memory_space<vmem>> -> memref<1x64xf32, #tpu.memory_space<vmem>>
      %dma_start3A_101 = arith.constant 0 : i32
      %dma_start3A_102 = tpu.memref_slice %arg2[%reduce_max3A_90, %dma_start3A_101] : memref<1000000x64xf32, #tpu.memory_space<hbm>> -> memref<1x64xf32, #tpu.memory_space<hbm>>
      tpu.enqueue_dma source(%dma_start3A_102 : memref<1x64xf32, #tpu.memory_space<hbm>>) target(%dma_start3A_100 : memref<1x64xf32, #tpu.memory_space<vmem>>) target_semaphore(%arg11 : memref<!tpu.dma_semaphore, #tpu.memory_space<semaphore_mem>>)
      %eq3A_103 = arith.constant 3 : i32
      %eq3A_104 = vector.broadcast %eq3A_103 : i32 to vector<16xi32>
      %eq3A_105 = arith.cmpi eq, %iota3A, %eq3A_104 : vector<16xi32>
      %jit3A_106 = arith.constant 0 : i32
      %broadcast_in_dim3A_107 = vector.broadcast %jit3A_106 : i32 to vector<16xi32>
      %select_n3A_108 = arith.select %eq3A_105, %get3A_30, %broadcast_in_dim3A_107 : vector<16xi1>, vector<16xi32>
      %reduce_max3A_109 = arith.constant true
      %reduce_max3A_110 = vector.broadcast %reduce_max3A_109 : i1 to vector<16xi1>
      %reduce_max3A_111 = arith.constant -2147483648 : i32
      %reduce_max3A_112 = vector.broadcast %reduce_max3A_111 : i32 to vector<16xi32>
      %reduce_max3A_113 = arith.xori %select_n3A_108, %reduce_max3A_112 : vector<16xi32>
      %reduce_max3A_114 = tpu.scan <max>, %reduce_max3A_113 masked %reduce_max3A_110 : vector<16xi32>, vector<16xi1> -> vector<16xi32>
      %reduce_max3A_115 = arith.xori %reduce_max3A_114, %reduce_max3A_112 : vector<16xi32>
      %reduce_max3A_116 = vector.extract %reduce_max3A_115[15] : i32 from vector<16xi32>
      %mul3A_117 = arith.constant 16 : i32
      %mul3A_118 = arith.muli %scan3A_27, %mul3A_117 : i32
      %add3A_119 = arith.constant 3 : i32
      %add3A_120 = arith.addi %mul3A_118, %add3A_119 : i32
      %dma_start3A_121 = arith.constant 0 : i32
      %dma_start3A_122 = tpu.memref_slice %arg10[%add3A_120, %dma_start3A_121] : memref<512x64xf32, #tpu.memory_space<vmem>> -> memref<1x64xf32, #tpu.memory_space<vmem>>
      %dma_start3A_123 = arith.constant 0 : i32
      %dma_start3A_124 = tpu.memref_slice %arg2[%reduce_max3A_116, %dma_start3A_123] : memref<1000000x64xf32, #tpu.memory_space<hbm>> -> memref<1x64xf32, #tpu.memory_space<hbm>>
      %dma_start3A_125 = arith.constant 0 : i32
      %dma_start3A_126 = tpu.memref_slice %arg10[%add3A_120, %dma_start3A_125] : memref<512x64xf32, #tpu.memory_space<vmem>> -> memref<1x64xf32, #tpu.memory_space<vmem>>
      %dma_start3A_127 = arith.constant 0 : i32
      %dma_start3A_128 = tpu.memref_slice %arg2[%reduce_max3A_116, %dma_start3A_127] : memref<1000000x64xf32, #tpu.memory_space<hbm>> -> memref<1x64xf32, #tpu.memory_space<hbm>>
      tpu.enqueue_dma source(%dma_start3A_128 : memref<1x64xf32, #tpu.memory_space<hbm>>) target(%dma_start3A_126 : memref<1x64xf32, #tpu.memory_space<vmem>>) target_semaphore(%arg11 : memref<!tpu.dma_semaphore, #tpu.memory_space<semaphore_mem>>)
      %eq3A_129 = arith.constant 4 : i32
      %eq3A_130 = vector.broadcast %eq3A_129 : i32 to vector<16xi32>
      %eq3A_131 = arith.cmpi eq, %iota3A, %eq3A_130 : vector<16xi32>
      %jit3A_132 = arith.constant 0 : i32
      %broadcast_in_dim3A_133 = vector.broadcast %jit3A_132 : i32 to vector<16xi32>
      %select_n3A_134 = arith.select %eq3A_131, %get3A_30, %broadcast_in_dim3A_133 : vector<16xi1>, vector<16xi32>
      %reduce_max3A_135 = arith.constant true
      %reduce_max3A_136 = vector.broadcast %reduce_max3A_135 : i1 to vector<16xi1>
      %reduce_max3A_137 = arith.constant -2147483648 : i32
      %reduce_max3A_138 = vector.broadcast %reduce_max3A_137 : i32 to vector<16xi32>
      %reduce_max3A_139 = arith.xori %select_n3A_134, %reduce_max3A_138 : vector<16xi32>
      %reduce_max3A_140 = tpu.scan <max>, %reduce_max3A_139 masked %reduce_max3A_136 : vector<16xi32>, vector<16xi1> -> vector<16xi32>
      %reduce_max3A_141 = arith.xori %reduce_max3A_140, %reduce_max3A_138 : vector<16xi32>
      %reduce_max3A_142 = vector.extract %reduce_max3A_141[15] : i32 from vector<16xi32>
      %mul3A_143 = arith.constant 16 : i32
      %mul3A_144 = arith.muli %scan3A_27, %mul3A_143 : i32
      %add3A_145 = arith.constant 4 : i32
      %add3A_146 = arith.addi %mul3A_144, %add3A_145 : i32
      %dma_start3A_147 = arith.constant 0 : i32
      %dma_start3A_148 = tpu.memref_slice %arg10[%add3A_146, %dma_start3A_147] : memref<512x64xf32, #tpu.memory_space<vmem>> -> memref<1x64xf32, #tpu.memory_space<vmem>>
      %dma_start3A_149 = arith.constant 0 : i32
      %dma_start3A_150 = tpu.memref_slice %arg2[%reduce_max3A_142, %dma_start3A_149] : memref<1000000x64xf32, #tpu.memory_space<hbm>> -> memref<1x64xf32, #tpu.memory_space<hbm>>
      %dma_start3A_151 = arith.constant 0 : i32
      %dma_start3A_152 = tpu.memref_slice %arg10[%add3A_146, %dma_start3A_151] : memref<512x64xf32, #tpu.memory_space<vmem>> -> memref<1x64xf32, #tpu.memory_space<vmem>>
      %dma_start3A_153 = arith.constant 0 : i32
      %dma_start3A_154 = tpu.memref_slice %arg2[%reduce_max3A_142, %dma_start3A_153] : memref<1000000x64xf32, #tpu.memory_space<hbm>> -> memref<1x64xf32, #tpu.memory_space<hbm>>
      tpu.enqueue_dma source(%dma_start3A_154 : memref<1x64xf32, #tpu.memory_space<hbm>>) target(%dma_start3A_152 : memref<1x64xf32, #tpu.memory_space<vmem>>) target_semaphore(%arg11 : memref<!tpu.dma_semaphore, #tpu.memory_space<semaphore_mem>>)
      %eq3A_155 = arith.constant 5 : i32
      %eq3A_156 = vector.broadcast %eq3A_155 : i32 to vector<16xi32>
      %eq3A_157 = arith.cmpi eq, %iota3A, %eq3A_156 : vector<16xi32>
      %jit3A_158 = arith.constant 0 : i32
      %broadcast_in_dim3A_159 = vector.broadcast %jit3A_158 : i32 to vector<16xi32>
      %select_n3A_160 = arith.select %eq3A_157, %get3A_30, %broadcast_in_dim3A_159 : vector<16xi1>, vector<16xi32>
      %reduce_max3A_161 = arith.constant true
      %reduce_max3A_162 = vector.broadcast %reduce_max3A_161 : i1 to vector<16xi1>
      %reduce_max3A_163 = arith.constant -2147483648 : i32
      %reduce_max3A_164 = vector.broadcast %reduce_max3A_163 : i32 to vector<16xi32>
      %reduce_max3A_165 = arith.xori %select_n3A_160, %reduce_max3A_164 : vector<16xi32>
      %reduce_max3A_166 = tpu.scan <max>, %reduce_max3A_165 masked %reduce_max3A_162 : vector<16xi32>, vector<16xi1> -> vector<16xi32>
      %reduce_max3A_167 = arith.xori %reduce_max3A_166, %reduce_max3A_164 : vector<16xi32>
      %reduce_max3A_168 = vector.extract %reduce_max3A_167[15] : i32 from vector<16xi32>
      %mul3A_169 = arith.constant 16 : i32
      %mul3A_170 = arith.muli %scan3A_27, %mul3A_169 : i32
      %add3A_171 = arith.constant 5 : i32
      %add3A_172 = arith.addi %mul3A_170, %add3A_171 : i32
      %dma_start3A_173 = arith.constant 0 : i32
      %dma_start3A_174 = tpu.memref_slice %arg10[%add3A_172, %dma_start3A_173] : memref<512x64xf32, #tpu.memory_space<vmem>> -> memref<1x64xf32, #tpu.memory_space<vmem>>
      %dma_start3A_175 = arith.constant 0 : i32
      %dma_start3A_176 = tpu.memref_slice %arg2[%reduce_max3A_168, %dma_start3A_175] : memref<1000000x64xf32, #tpu.memory_space<hbm>> -> memref<1x64xf32, #tpu.memory_space<hbm>>
      %dma_start3A_177 = arith.constant 0 : i32
      %dma_start3A_178 = tpu.memref_slice %arg10[%add3A_172, %dma_start3A_177] : memref<512x64xf32, #tpu.memory_space<vmem>> -> memref<1x64xf32, #tpu.memory_space<vmem>>
      %dma_start3A_179 = arith.constant 0 : i32
      %dma_start3A_180 = tpu.memref_slice %arg2[%reduce_max3A_168, %dma_start3A_179] : memref<1000000x64xf32, #tpu.memory_space<hbm>> -> memref<1x64xf32, #tpu.memory_space<hbm>>
      tpu.enqueue_dma source(%dma_start3A_180 : memref<1x64xf32, #tpu.memory_space<hbm>>) target(%dma_start3A_178 : memref<1x64xf32, #tpu.memory_space<vmem>>) target_semaphore(%arg11 : memref<!tpu.dma_semaphore, #tpu.memory_space<semaphore_mem>>)
      %eq3A_181 = arith.constant 6 : i32
      %eq3A_182 = vector.broadcast %eq3A_181 : i32 to vector<16xi32>
      %eq3A_183 = arith.cmpi eq, %iota3A, %eq3A_182 : vector<16xi32>
      %jit3A_184 = arith.constant 0 : i32
      %broadcast_in_dim3A_185 = vector.broadcast %jit3A_184 : i32 to vector<16xi32>
      %select_n3A_186 = arith.select %eq3A_183, %get3A_30, %broadcast_in_dim3A_185 : vector<16xi1>, vector<16xi32>
      %reduce_max3A_187 = arith.constant true
      %reduce_max3A_188 = vector.broadcast %reduce_max3A_187 : i1 to vector<16xi1>
      %reduce_max3A_189 = arith.constant -2147483648 : i32
      %reduce_max3A_190 = vector.broadcast %reduce_max3A_189 : i32 to vector<16xi32>
      %reduce_max3A_191 = arith.xori %select_n3A_186, %reduce_max3A_190 : vector<16xi32>
      %reduce_max3A_192 = tpu.scan <max>, %reduce_max3A_191 masked %reduce_max3A_188 : vector<16xi32>, vector<16xi1> -> vector<16xi32>
      %reduce_max3A_193 = arith.xori %reduce_max3A_192, %reduce_max3A_190 : vector<16xi32>
      %reduce_max3A_194 = vector.extract %reduce_max3A_193[15] : i32 from vector<16xi32>
      %mul3A_195 = arith.constant 16 : i32
      %mul3A_196 = arith.muli %scan3A_27, %mul3A_195 : i32
      %add3A_197 = arith.constant 6 : i32
      %add3A_198 = arith.addi %mul3A_196, %add3A_197 : i32
      %dma_start3A_199 = arith.constant 0 : i32
      %dma_start3A_200 = tpu.memref_slice %arg10[%add3A_198, %dma_start3A_199] : memref<512x64xf32, #tpu.memory_space<vmem>> -> memref<1x64xf32, #tpu.memory_space<vmem>>
      %dma_start3A_201 = arith.constant 0 : i32
      %dma_start3A_202 = tpu.memref_slice %arg2[%reduce_max3A_194, %dma_start3A_201] : memref<1000000x64xf32, #tpu.memory_space<hbm>> -> memref<1x64xf32, #tpu.memory_space<hbm>>
      %dma_start3A_203 = arith.constant 0 : i32
      %dma_start3A_204 = tpu.memref_slice %arg10[%add3A_198, %dma_start3A_203] : memref<512x64xf32, #tpu.memory_space<vmem>> -> memref<1x64xf32, #tpu.memory_space<vmem>>
      %dma_start3A_205 = arith.constant 0 : i32
      %dma_start3A_206 = tpu.memref_slice %arg2[%reduce_max3A_194, %dma_start3A_205] : memref<1000000x64xf32, #tpu.memory_space<hbm>> -> memref<1x64xf32, #tpu.memory_space<hbm>>
      tpu.enqueue_dma source(%dma_start3A_206 : memref<1x64xf32, #tpu.memory_space<hbm>>) target(%dma_start3A_204 : memref<1x64xf32, #tpu.memory_space<vmem>>) target_semaphore(%arg11 : memref<!tpu.dma_semaphore, #tpu.memory_space<semaphore_mem>>)
      %eq3A_207 = arith.constant 7 : i32
      %eq3A_208 = vector.broadcast %eq3A_207 : i32 to vector<16xi32>
      %eq3A_209 = arith.cmpi eq, %iota3A, %eq3A_208 : vector<16xi32>
      %jit3A_210 = arith.constant 0 : i32
      %broadcast_in_dim3A_211 = vector.broadcast %jit3A_210 : i32 to vector<16xi32>
      %select_n3A_212 = arith.select %eq3A_209, %get3A_30, %broadcast_in_dim3A_211 : vector<16xi1>, vector<16xi32>
      %reduce_max3A_213 = arith.constant true
      %reduce_max3A_214 = vector.broadcast %reduce_max3A_213 : i1 to vector<16xi1>
      %reduce_max3A_215 = arith.constant -2147483648 : i32
      %reduce_max3A_216 = vector.broadcast %reduce_max3A_215 : i32 to vector<16xi32>
      %reduce_max3A_217 = arith.xori %select_n3A_212, %reduce_max3A_216 : vector<16xi32>
      %reduce_max3A_218 = tpu.scan <max>, %reduce_max3A_217 masked %reduce_max3A_214 : vector<16xi32>, vector<16xi1> -> vector<16xi32>
      %reduce_max3A_219 = arith.xori %reduce_max3A_218, %reduce_max3A_216 : vector<16xi32>
      %reduce_max3A_220 = vector.extract %reduce_max3A_219[15] : i32 from vector<16xi32>
      %mul3A_221 = arith.constant 16 : i32
      %mul3A_222 = arith.muli %scan3A_27, %mul3A_221 : i32
      %add3A_223 = arith.constant 7 : i32
      %add3A_224 = arith.addi %mul3A_222, %add3A_223 : i32
      %dma_start3A_225 = arith.constant 0 : i32
      %dma_start3A_226 = tpu.memref_slice %arg10[%add3A_224, %dma_start3A_225] : memref<512x64xf32, #tpu.memory_space<vmem>> -> memref<1x64xf32, #tpu.memory_space<vmem>>
      %dma_start3A_227 = arith.constant 0 : i32
      %dma_start3A_228 = tpu.memref_slice %arg2[%reduce_max3A_220, %dma_start3A_227] : memref<1000000x64xf32, #tpu.memory_space<hbm>> -> memref<1x64xf32, #tpu.memory_space<hbm>>
      %dma_start3A_229 = arith.constant 0 : i32
      %dma_start3A_230 = tpu.memref_slice %arg10[%add3A_224, %dma_start3A_229] : memref<512x64xf32, #tpu.memory_space<vmem>> -> memref<1x64xf32, #tpu.memory_space<vmem>>
      %dma_start3A_231 = arith.constant 0 : i32
      %dma_start3A_232 = tpu.memref_slice %arg2[%reduce_max3A_220, %dma_start3A_231] : memref<1000000x64xf32, #tpu.memory_space<hbm>> -> memref<1x64xf32, #tpu.memory_space<hbm>>
      tpu.enqueue_dma source(%dma_start3A_232 : memref<1x64xf32, #tpu.memory_space<hbm>>) target(%dma_start3A_230 : memref<1x64xf32, #tpu.memory_space<vmem>>) target_semaphore(%arg11 : memref<!tpu.dma_semaphore, #tpu.memory_space<semaphore_mem>>)
      %eq3A_233 = arith.constant 8 : i32
      %eq3A_234 = vector.broadcast %eq3A_233 : i32 to vector<16xi32>
      %eq3A_235 = arith.cmpi eq, %iota3A, %eq3A_234 : vector<16xi32>
      %jit3A_236 = arith.constant 0 : i32
      %broadcast_in_dim3A_237 = vector.broadcast %jit3A_236 : i32 to vector<16xi32>
      %select_n3A_238 = arith.select %eq3A_235, %get3A_30, %broadcast_in_dim3A_237 : vector<16xi1>, vector<16xi32>
      %reduce_max3A_239 = arith.constant true
      %reduce_max3A_240 = vector.broadcast %reduce_max3A_239 : i1 to vector<16xi1>
      %reduce_max3A_241 = arith.constant -2147483648 : i32
      %reduce_max3A_242 = vector.broadcast %reduce_max3A_241 : i32 to vector<16xi32>
      %reduce_max3A_243 = arith.xori %select_n3A_238, %reduce_max3A_242 : vector<16xi32>
      %reduce_max3A_244 = tpu.scan <max>, %reduce_max3A_243 masked %reduce_max3A_240 : vector<16xi32>, vector<16xi1> -> vector<16xi32>
      %reduce_max3A_245 = arith.xori %reduce_max3A_244, %reduce_max3A_242 : vector<16xi32>
      %reduce_max3A_246 = vector.extract %reduce_max3A_245[15] : i32 from vector<16xi32>
      %mul3A_247 = arith.constant 16 : i32
      %mul3A_248 = arith.muli %scan3A_27, %mul3A_247 : i32
      %add3A_249 = arith.constant 8 : i32
      %add3A_250 = arith.addi %mul3A_248, %add3A_249 : i32
      %dma_start3A_251 = arith.constant 0 : i32
      %dma_start3A_252 = tpu.memref_slice %arg10[%add3A_250, %dma_start3A_251] : memref<512x64xf32, #tpu.memory_space<vmem>> -> memref<1x64xf32, #tpu.memory_space<vmem>>
      %dma_start3A_253 = arith.constant 0 : i32
      %dma_start3A_254 = tpu.memref_slice %arg2[%reduce_max3A_246, %dma_start3A_253] : memref<1000000x64xf32, #tpu.memory_space<hbm>> -> memref<1x64xf32, #tpu.memory_space<hbm>>
      %dma_start3A_255 = arith.constant 0 : i32
      %dma_start3A_256 = tpu.memref_slice %arg10[%add3A_250, %dma_start3A_255] : memref<512x64xf32, #tpu.memory_space<vmem>> -> memref<1x64xf32, #tpu.memory_space<vmem>>
      %dma_start3A_257 = arith.constant 0 : i32
      %dma_start3A_258 = tpu.memref_slice %arg2[%reduce_max3A_246, %dma_start3A_257] : memref<1000000x64xf32, #tpu.memory_space<hbm>> -> memref<1x64xf32, #tpu.memory_space<hbm>>
      tpu.enqueue_dma source(%dma_start3A_258 : memref<1x64xf32, #tpu.memory_space<hbm>>) target(%dma_start3A_256 : memref<1x64xf32, #tpu.memory_space<vmem>>) target_semaphore(%arg11 : memref<!tpu.dma_semaphore, #tpu.memory_space<semaphore_mem>>)
      %eq3A_259 = arith.constant 9 : i32
      %eq3A_260 = vector.broadcast %eq3A_259 : i32 to vector<16xi32>
      %eq3A_261 = arith.cmpi eq, %iota3A, %eq3A_260 : vector<16xi32>
      %jit3A_262 = arith.constant 0 : i32
      %broadcast_in_dim3A_263 = vector.broadcast %jit3A_262 : i32 to vector<16xi32>
      %select_n3A_264 = arith.select %eq3A_261, %get3A_30, %broadcast_in_dim3A_263 : vector<16xi1>, vector<16xi32>
      %reduce_max3A_265 = arith.constant true
      %reduce_max3A_266 = vector.broadcast %reduce_max3A_265 : i1 to vector<16xi1>
      %reduce_max3A_267 = arith.constant -2147483648 : i32
      %reduce_max3A_268 = vector.broadcast %reduce_max3A_267 : i32 to vector<16xi32>
      %reduce_max3A_269 = arith.xori %select_n3A_264, %reduce_max3A_268 : vector<16xi32>
      %reduce_max3A_270 = tpu.scan <max>, %reduce_max3A_269 masked %reduce_max3A_266 : vector<16xi32>, vector<16xi1> -> vector<16xi32>
      %reduce_max3A_271 = arith.xori %reduce_max3A_270, %reduce_max3A_268 : vector<16xi32>
      %reduce_max3A_272 = vector.extract %reduce_max3A_271[15] : i32 from vector<16xi32>
      %mul3A_273 = arith.constant 16 : i32
      %mul3A_274 = arith.muli %scan3A_27, %mul3A_273 : i32
      %add3A_275 = arith.constant 9 : i32
      %add3A_276 = arith.addi %mul3A_274, %add3A_275 : i32
      %dma_start3A_277 = arith.constant 0 : i32
      %dma_start3A_278 = tpu.memref_slice %arg10[%add3A_276, %dma_start3A_277] : memref<512x64xf32, #tpu.memory_space<vmem>> -> memref<1x64xf32, #tpu.memory_space<vmem>>
      %dma_start3A_279 = arith.constant 0 : i32
      %dma_start3A_280 = tpu.memref_slice %arg2[%reduce_max3A_272, %dma_start3A_279] : memref<1000000x64xf32, #tpu.memory_space<hbm>> -> memref<1x64xf32, #tpu.memory_space<hbm>>
      %dma_start3A_281 = arith.constant 0 : i32
      %dma_start3A_282 = tpu.memref_slice %arg10[%add3A_276, %dma_start3A_281] : memref<512x64xf32, #tpu.memory_space<vmem>> -> memref<1x64xf32, #tpu.memory_space<vmem>>
      %dma_start3A_283 = arith.constant 0 : i32
      %dma_start3A_284 = tpu.memref_slice %arg2[%reduce_max3A_272, %dma_start3A_283] : memref<1000000x64xf32, #tpu.memory_space<hbm>> -> memref<1x64xf32, #tpu.memory_space<hbm>>
      tpu.enqueue_dma source(%dma_start3A_284 : memref<1x64xf32, #tpu.memory_space<hbm>>) target(%dma_start3A_282 : memref<1x64xf32, #tpu.memory_space<vmem>>) target_semaphore(%arg11 : memref<!tpu.dma_semaphore, #tpu.memory_space<semaphore_mem>>)
      %eq3A_285 = arith.constant 10 : i32
      %eq3A_286 = vector.broadcast %eq3A_285 : i32 to vector<16xi32>
      %eq3A_287 = arith.cmpi eq, %iota3A, %eq3A_286 : vector<16xi32>
      %jit3A_288 = arith.constant 0 : i32
      %broadcast_in_dim3A_289 = vector.broadcast %jit3A_288 : i32 to vector<16xi32>
      %select_n3A_290 = arith.select %eq3A_287, %get3A_30, %broadcast_in_dim3A_289 : vector<16xi1>, vector<16xi32>
      %reduce_max3A_291 = arith.constant true
      %reduce_max3A_292 = vector.broadcast %reduce_max3A_291 : i1 to vector<16xi1>
      %reduce_max3A_293 = arith.constant -2147483648 : i32
      %reduce_max3A_294 = vector.broadcast %reduce_max3A_293 : i32 to vector<16xi32>
      %reduce_max3A_295 = arith.xori %select_n3A_290, %reduce_max3A_294 : vector<16xi32>
      %reduce_max3A_296 = tpu.scan <max>, %reduce_max3A_295 masked %reduce_max3A_292 : vector<16xi32>, vector<16xi1> -> vector<16xi32>
      %reduce_max3A_297 = arith.xori %reduce_max3A_296, %reduce_max3A_294 : vector<16xi32>
      %reduce_max3A_298 = vector.extract %reduce_max3A_297[15] : i32 from vector<16xi32>
      %mul3A_299 = arith.constant 16 : i32
      %mul3A_300 = arith.muli %scan3A_27, %mul3A_299 : i32
      %add3A_301 = arith.constant 10 : i32
      %add3A_302 = arith.addi %mul3A_300, %add3A_301 : i32
      %dma_start3A_303 = arith.constant 0 : i32
      %dma_start3A_304 = tpu.memref_slice %arg10[%add3A_302, %dma_start3A_303] : memref<512x64xf32, #tpu.memory_space<vmem>> -> memref<1x64xf32, #tpu.memory_space<vmem>>
      %dma_start3A_305 = arith.constant 0 : i32
      %dma_start3A_306 = tpu.memref_slice %arg2[%reduce_max3A_298, %dma_start3A_305] : memref<1000000x64xf32, #tpu.memory_space<hbm>> -> memref<1x64xf32, #tpu.memory_space<hbm>>
      %dma_start3A_307 = arith.constant 0 : i32
      %dma_start3A_308 = tpu.memref_slice %arg10[%add3A_302, %dma_start3A_307] : memref<512x64xf32, #tpu.memory_space<vmem>> -> memref<1x64xf32, #tpu.memory_space<vmem>>
      %dma_start3A_309 = arith.constant 0 : i32
      %dma_start3A_310 = tpu.memref_slice %arg2[%reduce_max3A_298, %dma_start3A_309] : memref<1000000x64xf32, #tpu.memory_space<hbm>> -> memref<1x64xf32, #tpu.memory_space<hbm>>
      tpu.enqueue_dma source(%dma_start3A_310 : memref<1x64xf32, #tpu.memory_space<hbm>>) target(%dma_start3A_308 : memref<1x64xf32, #tpu.memory_space<vmem>>) target_semaphore(%arg11 : memref<!tpu.dma_semaphore, #tpu.memory_space<semaphore_mem>>)
      %eq3A_311 = arith.constant 11 : i32
      %eq3A_312 = vector.broadcast %eq3A_311 : i32 to vector<16xi32>
      %eq3A_313 = arith.cmpi eq, %iota3A, %eq3A_312 : vector<16xi32>
      %jit3A_314 = arith.constant 0 : i32
      %broadcast_in_dim3A_315 = vector.broadcast %jit3A_314 : i32 to vector<16xi32>
      %select_n3A_316 = arith.select %eq3A_313, %get3A_30, %broadcast_in_dim3A_315 : vector<16xi1>, vector<16xi32>
      %reduce_max3A_317 = arith.constant true
      %reduce_max3A_318 = vector.broadcast %reduce_max3A_317 : i1 to vector<16xi1>
      %reduce_max3A_319 = arith.constant -2147483648 : i32
      %reduce_max3A_320 = vector.broadcast %reduce_max3A_319 : i32 to vector<16xi32>
      %reduce_max3A_321 = arith.xori %select_n3A_316, %reduce_max3A_320 : vector<16xi32>
      %reduce_max3A_322 = tpu.scan <max>, %reduce_max3A_321 masked %reduce_max3A_318 : vector<16xi32>, vector<16xi1> -> vector<16xi32>
      %reduce_max3A_323 = arith.xori %reduce_max3A_322, %reduce_max3A_320 : vector<16xi32>
      %reduce_max3A_324 = vector.extract %reduce_max3A_323[15] : i32 from vector<16xi32>
      %mul3A_325 = arith.constant 16 : i32
      %mul3A_326 = arith.muli %scan3A_27, %mul3A_325 : i32
      %add3A_327 = arith.constant 11 : i32
      %add3A_328 = arith.addi %mul3A_326, %add3A_327 : i32
      %dma_start3A_329 = arith.constant 0 : i32
      %dma_start3A_330 = tpu.memref_slice %arg10[%add3A_328, %dma_start3A_329] : memref<512x64xf32, #tpu.memory_space<vmem>> -> memref<1x64xf32, #tpu.memory_space<vmem>>
      %dma_start3A_331 = arith.constant 0 : i32
      %dma_start3A_332 = tpu.memref_slice %arg2[%reduce_max3A_324, %dma_start3A_331] : memref<1000000x64xf32, #tpu.memory_space<hbm>> -> memref<1x64xf32, #tpu.memory_space<hbm>>
      %dma_start3A_333 = arith.constant 0 : i32
      %dma_start3A_334 = tpu.memref_slice %arg10[%add3A_328, %dma_start3A_333] : memref<512x64xf32, #tpu.memory_space<vmem>> -> memref<1x64xf32, #tpu.memory_space<vmem>>
      %dma_start3A_335 = arith.constant 0 : i32
      %dma_start3A_336 = tpu.memref_slice %arg2[%reduce_max3A_324, %dma_start3A_335] : memref<1000000x64xf32, #tpu.memory_space<hbm>> -> memref<1x64xf32, #tpu.memory_space<hbm>>
      tpu.enqueue_dma source(%dma_start3A_336 : memref<1x64xf32, #tpu.memory_space<hbm>>) target(%dma_start3A_334 : memref<1x64xf32, #tpu.memory_space<vmem>>) target_semaphore(%arg11 : memref<!tpu.dma_semaphore, #tpu.memory_space<semaphore_mem>>)
      %eq3A_337 = arith.constant 12 : i32
      %eq3A_338 = vector.broadcast %eq3A_337 : i32 to vector<16xi32>
      %eq3A_339 = arith.cmpi eq, %iota3A, %eq3A_338 : vector<16xi32>
      %jit3A_340 = arith.constant 0 : i32
      %broadcast_in_dim3A_341 = vector.broadcast %jit3A_340 : i32 to vector<16xi32>
      %select_n3A_342 = arith.select %eq3A_339, %get3A_30, %broadcast_in_dim3A_341 : vector<16xi1>, vector<16xi32>
      %reduce_max3A_343 = arith.constant true
      %reduce_max3A_344 = vector.broadcast %reduce_max3A_343 : i1 to vector<16xi1>
      %reduce_max3A_345 = arith.constant -2147483648 : i32
      %reduce_max3A_346 = vector.broadcast %reduce_max3A_345 : i32 to vector<16xi32>
      %reduce_max3A_347 = arith.xori %select_n3A_342, %reduce_max3A_346 : vector<16xi32>
      %reduce_max3A_348 = tpu.scan <max>, %reduce_max3A_347 masked %reduce_max3A_344 : vector<16xi32>, vector<16xi1> -> vector<16xi32>
      %reduce_max3A_349 = arith.xori %reduce_max3A_348, %reduce_max3A_346 : vector<16xi32>
      %reduce_max3A_350 = vector.extract %reduce_max3A_349[15] : i32 from vector<16xi32>
      %mul3A_351 = arith.constant 16 : i32
      %mul3A_352 = arith.muli %scan3A_27, %mul3A_351 : i32
      %add3A_353 = arith.constant 12 : i32
      %add3A_354 = arith.addi %mul3A_352, %add3A_353 : i32
      %dma_start3A_355 = arith.constant 0 : i32
      %dma_start3A_356 = tpu.memref_slice %arg10[%add3A_354, %dma_start3A_355] : memref<512x64xf32, #tpu.memory_space<vmem>> -> memref<1x64xf32, #tpu.memory_space<vmem>>
      %dma_start3A_357 = arith.constant 0 : i32
      %dma_start3A_358 = tpu.memref_slice %arg2[%reduce_max3A_350, %dma_start3A_357] : memref<1000000x64xf32, #tpu.memory_space<hbm>> -> memref<1x64xf32, #tpu.memory_space<hbm>>
      %dma_start3A_359 = arith.constant 0 : i32
      %dma_start3A_360 = tpu.memref_slice %arg10[%add3A_354, %dma_start3A_359] : memref<512x64xf32, #tpu.memory_space<vmem>> -> memref<1x64xf32, #tpu.memory_space<vmem>>
      %dma_start3A_361 = arith.constant 0 : i32
      %dma_start3A_362 = tpu.memref_slice %arg2[%reduce_max3A_350, %dma_start3A_361] : memref<1000000x64xf32, #tpu.memory_space<hbm>> -> memref<1x64xf32, #tpu.memory_space<hbm>>
      tpu.enqueue_dma source(%dma_start3A_362 : memref<1x64xf32, #tpu.memory_space<hbm>>) target(%dma_start3A_360 : memref<1x64xf32, #tpu.memory_space<vmem>>) target_semaphore(%arg11 : memref<!tpu.dma_semaphore, #tpu.memory_space<semaphore_mem>>)
      %eq3A_363 = arith.constant 13 : i32
      %eq3A_364 = vector.broadcast %eq3A_363 : i32 to vector<16xi32>
      %eq3A_365 = arith.cmpi eq, %iota3A, %eq3A_364 : vector<16xi32>
      %jit3A_366 = arith.constant 0 : i32
      %broadcast_in_dim3A_367 = vector.broadcast %jit3A_366 : i32 to vector<16xi32>
      %select_n3A_368 = arith.select %eq3A_365, %get3A_30, %broadcast_in_dim3A_367 : vector<16xi1>, vector<16xi32>
      %reduce_max3A_369 = arith.constant true
      %reduce_max3A_370 = vector.broadcast %reduce_max3A_369 : i1 to vector<16xi1>
      %reduce_max3A_371 = arith.constant -2147483648 : i32
      %reduce_max3A_372 = vector.broadcast %reduce_max3A_371 : i32 to vector<16xi32>
      %reduce_max3A_373 = arith.xori %select_n3A_368, %reduce_max3A_372 : vector<16xi32>
      %reduce_max3A_374 = tpu.scan <max>, %reduce_max3A_373 masked %reduce_max3A_370 : vector<16xi32>, vector<16xi1> -> vector<16xi32>
      %reduce_max3A_375 = arith.xori %reduce_max3A_374, %reduce_max3A_372 : vector<16xi32>
      %reduce_max3A_376 = vector.extract %reduce_max3A_375[15] : i32 from vector<16xi32>
      %mul3A_377 = arith.constant 16 : i32
      %mul3A_378 = arith.muli %scan3A_27, %mul3A_377 : i32
      %add3A_379 = arith.constant 13 : i32
      %add3A_380 = arith.addi %mul3A_378, %add3A_379 : i32
      %dma_start3A_381 = arith.constant 0 : i32
      %dma_start3A_382 = tpu.memref_slice %arg10[%add3A_380, %dma_start3A_381] : memref<512x64xf32, #tpu.memory_space<vmem>> -> memref<1x64xf32, #tpu.memory_space<vmem>>
      %dma_start3A_383 = arith.constant 0 : i32
      %dma_start3A_384 = tpu.memref_slice %arg2[%reduce_max3A_376, %dma_start3A_383] : memref<1000000x64xf32, #tpu.memory_space<hbm>> -> memref<1x64xf32, #tpu.memory_space<hbm>>
      %dma_start3A_385 = arith.constant 0 : i32
      %dma_start3A_386 = tpu.memref_slice %arg10[%add3A_380, %dma_start3A_385] : memref<512x64xf32, #tpu.memory_space<vmem>> -> memref<1x64xf32, #tpu.memory_space<vmem>>
      %dma_start3A_387 = arith.constant 0 : i32
      %dma_start3A_388 = tpu.memref_slice %arg2[%reduce_max3A_376, %dma_start3A_387] : memref<1000000x64xf32, #tpu.memory_space<hbm>> -> memref<1x64xf32, #tpu.memory_space<hbm>>
      tpu.enqueue_dma source(%dma_start3A_388 : memref<1x64xf32, #tpu.memory_space<hbm>>) target(%dma_start3A_386 : memref<1x64xf32, #tpu.memory_space<vmem>>) target_semaphore(%arg11 : memref<!tpu.dma_semaphore, #tpu.memory_space<semaphore_mem>>)
      %eq3A_389 = arith.constant 14 : i32
      %eq3A_390 = vector.broadcast %eq3A_389 : i32 to vector<16xi32>
      %eq3A_391 = arith.cmpi eq, %iota3A, %eq3A_390 : vector<16xi32>
      %jit3A_392 = arith.constant 0 : i32
      %broadcast_in_dim3A_393 = vector.broadcast %jit3A_392 : i32 to vector<16xi32>
      %select_n3A_394 = arith.select %eq3A_391, %get3A_30, %broadcast_in_dim3A_393 : vector<16xi1>, vector<16xi32>
      %reduce_max3A_395 = arith.constant true
      %reduce_max3A_396 = vector.broadcast %reduce_max3A_395 : i1 to vector<16xi1>
      %reduce_max3A_397 = arith.constant -2147483648 : i32
      %reduce_max3A_398 = vector.broadcast %reduce_max3A_397 : i32 to vector<16xi32>
      %reduce_max3A_399 = arith.xori %select_n3A_394, %reduce_max3A_398 : vector<16xi32>
      %reduce_max3A_400 = tpu.scan <max>, %reduce_max3A_399 masked %reduce_max3A_396 : vector<16xi32>, vector<16xi1> -> vector<16xi32>
      %reduce_max3A_401 = arith.xori %reduce_max3A_400, %reduce_max3A_398 : vector<16xi32>
      %reduce_max3A_402 = vector.extract %reduce_max3A_401[15] : i32 from vector<16xi32>
      %mul3A_403 = arith.constant 16 : i32
      %mul3A_404 = arith.muli %scan3A_27, %mul3A_403 : i32
      %add3A_405 = arith.constant 14 : i32
      %add3A_406 = arith.addi %mul3A_404, %add3A_405 : i32
      %dma_start3A_407 = arith.constant 0 : i32
      %dma_start3A_408 = tpu.memref_slice %arg10[%add3A_406, %dma_start3A_407] : memref<512x64xf32, #tpu.memory_space<vmem>> -> memref<1x64xf32, #tpu.memory_space<vmem>>
      %dma_start3A_409 = arith.constant 0 : i32
      %dma_start3A_410 = tpu.memref_slice %arg2[%reduce_max3A_402, %dma_start3A_409] : memref<1000000x64xf32, #tpu.memory_space<hbm>> -> memref<1x64xf32, #tpu.memory_space<hbm>>
      %dma_start3A_411 = arith.constant 0 : i32
      %dma_start3A_412 = tpu.memref_slice %arg10[%add3A_406, %dma_start3A_411] : memref<512x64xf32, #tpu.memory_space<vmem>> -> memref<1x64xf32, #tpu.memory_space<vmem>>
      %dma_start3A_413 = arith.constant 0 : i32
      %dma_start3A_414 = tpu.memref_slice %arg2[%reduce_max3A_402, %dma_start3A_413] : memref<1000000x64xf32, #tpu.memory_space<hbm>> -> memref<1x64xf32, #tpu.memory_space<hbm>>
      tpu.enqueue_dma source(%dma_start3A_414 : memref<1x64xf32, #tpu.memory_space<hbm>>) target(%dma_start3A_412 : memref<1x64xf32, #tpu.memory_space<vmem>>) target_semaphore(%arg11 : memref<!tpu.dma_semaphore, #tpu.memory_space<semaphore_mem>>)
      %eq3A_415 = arith.constant 15 : i32
      %eq3A_416 = vector.broadcast %eq3A_415 : i32 to vector<16xi32>
      %eq3A_417 = arith.cmpi eq, %iota3A, %eq3A_416 : vector<16xi32>
      %jit3A_418 = arith.constant 0 : i32
      %broadcast_in_dim3A_419 = vector.broadcast %jit3A_418 : i32 to vector<16xi32>
      %select_n3A_420 = arith.select %eq3A_417, %get3A_30, %broadcast_in_dim3A_419 : vector<16xi1>, vector<16xi32>
      %reduce_max3A_421 = arith.constant true
      %reduce_max3A_422 = vector.broadcast %reduce_max3A_421 : i1 to vector<16xi1>
      %reduce_max3A_423 = arith.constant -2147483648 : i32
      %reduce_max3A_424 = vector.broadcast %reduce_max3A_423 : i32 to vector<16xi32>
      %reduce_max3A_425 = arith.xori %select_n3A_420, %reduce_max3A_424 : vector<16xi32>
      %reduce_max3A_426 = tpu.scan <max>, %reduce_max3A_425 masked %reduce_max3A_422 : vector<16xi32>, vector<16xi1> -> vector<16xi32>
      %reduce_max3A_427 = arith.xori %reduce_max3A_426, %reduce_max3A_424 : vector<16xi32>
      %reduce_max3A_428 = vector.extract %reduce_max3A_427[15] : i32 from vector<16xi32>
      %mul3A_429 = arith.constant 16 : i32
      %mul3A_430 = arith.muli %scan3A_27, %mul3A_429 : i32
      %add3A_431 = arith.constant 15 : i32
      %add3A_432 = arith.addi %mul3A_430, %add3A_431 : i32
      %dma_start3A_433 = arith.constant 0 : i32
      %dma_start3A_434 = tpu.memref_slice %arg10[%add3A_432, %dma_start3A_433] : memref<512x64xf32, #tpu.memory_space<vmem>> -> memref<1x64xf32, #tpu.memory_space<vmem>>
      %dma_start3A_435 = arith.constant 0 : i32
      %dma_start3A_436 = tpu.memref_slice %arg2[%reduce_max3A_428, %dma_start3A_435] : memref<1000000x64xf32, #tpu.memory_space<hbm>> -> memref<1x64xf32, #tpu.memory_space<hbm>>
      %dma_start3A_437 = arith.constant 0 : i32
      %dma_start3A_438 = tpu.memref_slice %arg10[%add3A_432, %dma_start3A_437] : memref<512x64xf32, #tpu.memory_space<vmem>> -> memref<1x64xf32, #tpu.memory_space<vmem>>
      %dma_start3A_439 = arith.constant 0 : i32
      %dma_start3A_440 = tpu.memref_slice %arg2[%reduce_max3A_428, %dma_start3A_439] : memref<1000000x64xf32, #tpu.memory_space<hbm>> -> memref<1x64xf32, #tpu.memory_space<hbm>>
      tpu.enqueue_dma source(%dma_start3A_440 : memref<1x64xf32, #tpu.memory_space<hbm>>) target(%dma_start3A_438 : memref<1x64xf32, #tpu.memory_space<vmem>>) target_semaphore(%arg11 : memref<!tpu.dma_semaphore, #tpu.memory_space<semaphore_mem>>)
    }
    %scan3A_7 = arith.constant 32 : i32
    %scan3A_8 = arith.constant 0 : i32
    %scan3A_9 = arith.constant 0 : i32
    %scan3A_10 = arith.constant 32 : i32
    %scan3A_11 = arith.addi %scan3A_9, %scan3A_10 : i32
    %scan3A_12 = arith.constant 1 : i32
    scf.for %scan3A_27 = %scan3A_9 to %scan3A_11 step %scan3A_12  : i32 {
      %mul3A_28 = arith.constant 16 : i32
      %mul3A_29 = arith.muli %scan3A_27, %mul3A_28 : i32
      %add3A_30 = arith.constant 0 : i32
      %add3A_31 = arith.addi %mul3A_29, %add3A_30 : i32
      %dma_wait3A = arith.constant 0 : i32
      %dma_wait3A_32 = tpu.memref_slice %arg10[%add3A_31, %dma_wait3A] : memref<512x64xf32, #tpu.memory_space<vmem>> -> memref<1x64xf32, #tpu.memory_space<vmem>>
      %dma_wait3A_33 = arith.constant 0 : i32
      %dma_wait3A_34 = arith.constant 0 : i32
      %dma_wait3A_35 = tpu.memref_slice %arg2[%dma_wait3A_33, %dma_wait3A_34] : memref<1000000x64xf32, #tpu.memory_space<hbm>> -> memref<1x64xf32, #tpu.memory_space<hbm>>
      %dma_wait3A_36 = arith.constant 0 : i32
      %dma_wait3A_37 = tpu.memref_slice %arg10[%add3A_31, %dma_wait3A_36] : memref<512x64xf32, #tpu.memory_space<vmem>> -> memref<1x64xf32, #tpu.memory_space<vmem>>
      %dma_wait3A_38 = arith.constant 0 : i32
      %dma_wait3A_39 = arith.constant 0 : i32
      %dma_wait3A_40 = tpu.memref_slice %arg2[%dma_wait3A_38, %dma_wait3A_39] : memref<1000000x64xf32, #tpu.memory_space<hbm>> -> memref<1x64xf32, #tpu.memory_space<hbm>>
      tpu.wait_dma2 semaphore(%arg11 : memref<!tpu.dma_semaphore, #tpu.memory_space<semaphore_mem>>) src(%dma_wait3A_40 : memref<1x64xf32, #tpu.memory_space<hbm>>) dst(%dma_wait3A_37 : memref<1x64xf32, #tpu.memory_space<vmem>>)
      %mul3A_41 = arith.constant 16 : i32
      %mul3A_42 = arith.muli %scan3A_27, %mul3A_41 : i32
      %add3A_43 = arith.constant 1 : i32
      %add3A_44 = arith.addi %mul3A_42, %add3A_43 : i32
      %dma_wait3A_45 = arith.constant 0 : i32
      %dma_wait3A_46 = tpu.memref_slice %arg10[%add3A_44, %dma_wait3A_45] : memref<512x64xf32, #tpu.memory_space<vmem>> -> memref<1x64xf32, #tpu.memory_space<vmem>>
      %dma_wait3A_47 = arith.constant 0 : i32
      %dma_wait3A_48 = arith.constant 0 : i32
      %dma_wait3A_49 = tpu.memref_slice %arg2[%dma_wait3A_47, %dma_wait3A_48] : memref<1000000x64xf32, #tpu.memory_space<hbm>> -> memref<1x64xf32, #tpu.memory_space<hbm>>
      %dma_wait3A_50 = arith.constant 0 : i32
      %dma_wait3A_51 = tpu.memref_slice %arg10[%add3A_44, %dma_wait3A_50] : memref<512x64xf32, #tpu.memory_space<vmem>> -> memref<1x64xf32, #tpu.memory_space<vmem>>
      %dma_wait3A_52 = arith.constant 0 : i32
      %dma_wait3A_53 = arith.constant 0 : i32
      %dma_wait3A_54 = tpu.memref_slice %arg2[%dma_wait3A_52, %dma_wait3A_53] : memref<1000000x64xf32, #tpu.memory_space<hbm>> -> memref<1x64xf32, #tpu.memory_space<hbm>>
      tpu.wait_dma2 semaphore(%arg11 : memref<!tpu.dma_semaphore, #tpu.memory_space<semaphore_mem>>) src(%dma_wait3A_54 : memref<1x64xf32, #tpu.memory_space<hbm>>) dst(%dma_wait3A_51 : memref<1x64xf32, #tpu.memory_space<vmem>>)
      %mul3A_55 = arith.constant 16 : i32
      %mul3A_56 = arith.muli %scan3A_27, %mul3A_55 : i32
      %add3A_57 = arith.constant 2 : i32
      %add3A_58 = arith.addi %mul3A_56, %add3A_57 : i32
      %dma_wait3A_59 = arith.constant 0 : i32
      %dma_wait3A_60 = tpu.memref_slice %arg10[%add3A_58, %dma_wait3A_59] : memref<512x64xf32, #tpu.memory_space<vmem>> -> memref<1x64xf32, #tpu.memory_space<vmem>>
      %dma_wait3A_61 = arith.constant 0 : i32
      %dma_wait3A_62 = arith.constant 0 : i32
      %dma_wait3A_63 = tpu.memref_slice %arg2[%dma_wait3A_61, %dma_wait3A_62] : memref<1000000x64xf32, #tpu.memory_space<hbm>> -> memref<1x64xf32, #tpu.memory_space<hbm>>
      %dma_wait3A_64 = arith.constant 0 : i32
      %dma_wait3A_65 = tpu.memref_slice %arg10[%add3A_58, %dma_wait3A_64] : memref<512x64xf32, #tpu.memory_space<vmem>> -> memref<1x64xf32, #tpu.memory_space<vmem>>
      %dma_wait3A_66 = arith.constant 0 : i32
      %dma_wait3A_67 = arith.constant 0 : i32
      %dma_wait3A_68 = tpu.memref_slice %arg2[%dma_wait3A_66, %dma_wait3A_67] : memref<1000000x64xf32, #tpu.memory_space<hbm>> -> memref<1x64xf32, #tpu.memory_space<hbm>>
      tpu.wait_dma2 semaphore(%arg11 : memref<!tpu.dma_semaphore, #tpu.memory_space<semaphore_mem>>) src(%dma_wait3A_68 : memref<1x64xf32, #tpu.memory_space<hbm>>) dst(%dma_wait3A_65 : memref<1x64xf32, #tpu.memory_space<vmem>>)
      %mul3A_69 = arith.constant 16 : i32
      %mul3A_70 = arith.muli %scan3A_27, %mul3A_69 : i32
      %add3A_71 = arith.constant 3 : i32
      %add3A_72 = arith.addi %mul3A_70, %add3A_71 : i32
      %dma_wait3A_73 = arith.constant 0 : i32
      %dma_wait3A_74 = tpu.memref_slice %arg10[%add3A_72, %dma_wait3A_73] : memref<512x64xf32, #tpu.memory_space<vmem>> -> memref<1x64xf32, #tpu.memory_space<vmem>>
      %dma_wait3A_75 = arith.constant 0 : i32
      %dma_wait3A_76 = arith.constant 0 : i32
      %dma_wait3A_77 = tpu.memref_slice %arg2[%dma_wait3A_75, %dma_wait3A_76] : memref<1000000x64xf32, #tpu.memory_space<hbm>> -> memref<1x64xf32, #tpu.memory_space<hbm>>
      %dma_wait3A_78 = arith.constant 0 : i32
      %dma_wait3A_79 = tpu.memref_slice %arg10[%add3A_72, %dma_wait3A_78] : memref<512x64xf32, #tpu.memory_space<vmem>> -> memref<1x64xf32, #tpu.memory_space<vmem>>
      %dma_wait3A_80 = arith.constant 0 : i32
      %dma_wait3A_81 = arith.constant 0 : i32
      %dma_wait3A_82 = tpu.memref_slice %arg2[%dma_wait3A_80, %dma_wait3A_81] : memref<1000000x64xf32, #tpu.memory_space<hbm>> -> memref<1x64xf32, #tpu.memory_space<hbm>>
      tpu.wait_dma2 semaphore(%arg11 : memref<!tpu.dma_semaphore, #tpu.memory_space<semaphore_mem>>) src(%dma_wait3A_82 : memref<1x64xf32, #tpu.memory_space<hbm>>) dst(%dma_wait3A_79 : memref<1x64xf32, #tpu.memory_space<vmem>>)
      %mul3A_83 = arith.constant 16 : i32
      %mul3A_84 = arith.muli %scan3A_27, %mul3A_83 : i32
      %add3A_85 = arith.constant 4 : i32
      %add3A_86 = arith.addi %mul3A_84, %add3A_85 : i32
      %dma_wait3A_87 = arith.constant 0 : i32
      %dma_wait3A_88 = tpu.memref_slice %arg10[%add3A_86, %dma_wait3A_87] : memref<512x64xf32, #tpu.memory_space<vmem>> -> memref<1x64xf32, #tpu.memory_space<vmem>>
      %dma_wait3A_89 = arith.constant 0 : i32
      %dma_wait3A_90 = arith.constant 0 : i32
      %dma_wait3A_91 = tpu.memref_slice %arg2[%dma_wait3A_89, %dma_wait3A_90] : memref<1000000x64xf32, #tpu.memory_space<hbm>> -> memref<1x64xf32, #tpu.memory_space<hbm>>
      %dma_wait3A_92 = arith.constant 0 : i32
      %dma_wait3A_93 = tpu.memref_slice %arg10[%add3A_86, %dma_wait3A_92] : memref<512x64xf32, #tpu.memory_space<vmem>> -> memref<1x64xf32, #tpu.memory_space<vmem>>
      %dma_wait3A_94 = arith.constant 0 : i32
      %dma_wait3A_95 = arith.constant 0 : i32
      %dma_wait3A_96 = tpu.memref_slice %arg2[%dma_wait3A_94, %dma_wait3A_95] : memref<1000000x64xf32, #tpu.memory_space<hbm>> -> memref<1x64xf32, #tpu.memory_space<hbm>>
      tpu.wait_dma2 semaphore(%arg11 : memref<!tpu.dma_semaphore, #tpu.memory_space<semaphore_mem>>) src(%dma_wait3A_96 : memref<1x64xf32, #tpu.memory_space<hbm>>) dst(%dma_wait3A_93 : memref<1x64xf32, #tpu.memory_space<vmem>>)
      %mul3A_97 = arith.constant 16 : i32
      %mul3A_98 = arith.muli %scan3A_27, %mul3A_97 : i32
      %add3A_99 = arith.constant 5 : i32
      %add3A_100 = arith.addi %mul3A_98, %add3A_99 : i32
      %dma_wait3A_101 = arith.constant 0 : i32
      %dma_wait3A_102 = tpu.memref_slice %arg10[%add3A_100, %dma_wait3A_101] : memref<512x64xf32, #tpu.memory_space<vmem>> -> memref<1x64xf32, #tpu.memory_space<vmem>>
      %dma_wait3A_103 = arith.constant 0 : i32
      %dma_wait3A_104 = arith.constant 0 : i32
      %dma_wait3A_105 = tpu.memref_slice %arg2[%dma_wait3A_103, %dma_wait3A_104] : memref<1000000x64xf32, #tpu.memory_space<hbm>> -> memref<1x64xf32, #tpu.memory_space<hbm>>
      %dma_wait3A_106 = arith.constant 0 : i32
      %dma_wait3A_107 = tpu.memref_slice %arg10[%add3A_100, %dma_wait3A_106] : memref<512x64xf32, #tpu.memory_space<vmem>> -> memref<1x64xf32, #tpu.memory_space<vmem>>
      %dma_wait3A_108 = arith.constant 0 : i32
      %dma_wait3A_109 = arith.constant 0 : i32
      %dma_wait3A_110 = tpu.memref_slice %arg2[%dma_wait3A_108, %dma_wait3A_109] : memref<1000000x64xf32, #tpu.memory_space<hbm>> -> memref<1x64xf32, #tpu.memory_space<hbm>>
      tpu.wait_dma2 semaphore(%arg11 : memref<!tpu.dma_semaphore, #tpu.memory_space<semaphore_mem>>) src(%dma_wait3A_110 : memref<1x64xf32, #tpu.memory_space<hbm>>) dst(%dma_wait3A_107 : memref<1x64xf32, #tpu.memory_space<vmem>>)
      %mul3A_111 = arith.constant 16 : i32
      %mul3A_112 = arith.muli %scan3A_27, %mul3A_111 : i32
      %add3A_113 = arith.constant 6 : i32
      %add3A_114 = arith.addi %mul3A_112, %add3A_113 : i32
      %dma_wait3A_115 = arith.constant 0 : i32
      %dma_wait3A_116 = tpu.memref_slice %arg10[%add3A_114, %dma_wait3A_115] : memref<512x64xf32, #tpu.memory_space<vmem>> -> memref<1x64xf32, #tpu.memory_space<vmem>>
      %dma_wait3A_117 = arith.constant 0 : i32
      %dma_wait3A_118 = arith.constant 0 : i32
      %dma_wait3A_119 = tpu.memref_slice %arg2[%dma_wait3A_117, %dma_wait3A_118] : memref<1000000x64xf32, #tpu.memory_space<hbm>> -> memref<1x64xf32, #tpu.memory_space<hbm>>
      %dma_wait3A_120 = arith.constant 0 : i32
      %dma_wait3A_121 = tpu.memref_slice %arg10[%add3A_114, %dma_wait3A_120] : memref<512x64xf32, #tpu.memory_space<vmem>> -> memref<1x64xf32, #tpu.memory_space<vmem>>
      %dma_wait3A_122 = arith.constant 0 : i32
      %dma_wait3A_123 = arith.constant 0 : i32
      %dma_wait3A_124 = tpu.memref_slice %arg2[%dma_wait3A_122, %dma_wait3A_123] : memref<1000000x64xf32, #tpu.memory_space<hbm>> -> memref<1x64xf32, #tpu.memory_space<hbm>>
      tpu.wait_dma2 semaphore(%arg11 : memref<!tpu.dma_semaphore, #tpu.memory_space<semaphore_mem>>) src(%dma_wait3A_124 : memref<1x64xf32, #tpu.memory_space<hbm>>) dst(%dma_wait3A_121 : memref<1x64xf32, #tpu.memory_space<vmem>>)
      %mul3A_125 = arith.constant 16 : i32
      %mul3A_126 = arith.muli %scan3A_27, %mul3A_125 : i32
      %add3A_127 = arith.constant 7 : i32
      %add3A_128 = arith.addi %mul3A_126, %add3A_127 : i32
      %dma_wait3A_129 = arith.constant 0 : i32
      %dma_wait3A_130 = tpu.memref_slice %arg10[%add3A_128, %dma_wait3A_129] : memref<512x64xf32, #tpu.memory_space<vmem>> -> memref<1x64xf32, #tpu.memory_space<vmem>>
      %dma_wait3A_131 = arith.constant 0 : i32
      %dma_wait3A_132 = arith.constant 0 : i32
      %dma_wait3A_133 = tpu.memref_slice %arg2[%dma_wait3A_131, %dma_wait3A_132] : memref<1000000x64xf32, #tpu.memory_space<hbm>> -> memref<1x64xf32, #tpu.memory_space<hbm>>
      %dma_wait3A_134 = arith.constant 0 : i32
      %dma_wait3A_135 = tpu.memref_slice %arg10[%add3A_128, %dma_wait3A_134] : memref<512x64xf32, #tpu.memory_space<vmem>> -> memref<1x64xf32, #tpu.memory_space<vmem>>
      %dma_wait3A_136 = arith.constant 0 : i32
      %dma_wait3A_137 = arith.constant 0 : i32
      %dma_wait3A_138 = tpu.memref_slice %arg2[%dma_wait3A_136, %dma_wait3A_137] : memref<1000000x64xf32, #tpu.memory_space<hbm>> -> memref<1x64xf32, #tpu.memory_space<hbm>>
      tpu.wait_dma2 semaphore(%arg11 : memref<!tpu.dma_semaphore, #tpu.memory_space<semaphore_mem>>) src(%dma_wait3A_138 : memref<1x64xf32, #tpu.memory_space<hbm>>) dst(%dma_wait3A_135 : memref<1x64xf32, #tpu.memory_space<vmem>>)
      %mul3A_139 = arith.constant 16 : i32
      %mul3A_140 = arith.muli %scan3A_27, %mul3A_139 : i32
      %add3A_141 = arith.constant 8 : i32
      %add3A_142 = arith.addi %mul3A_140, %add3A_141 : i32
      %dma_wait3A_143 = arith.constant 0 : i32
      %dma_wait3A_144 = tpu.memref_slice %arg10[%add3A_142, %dma_wait3A_143] : memref<512x64xf32, #tpu.memory_space<vmem>> -> memref<1x64xf32, #tpu.memory_space<vmem>>
      %dma_wait3A_145 = arith.constant 0 : i32
      %dma_wait3A_146 = arith.constant 0 : i32
      %dma_wait3A_147 = tpu.memref_slice %arg2[%dma_wait3A_145, %dma_wait3A_146] : memref<1000000x64xf32, #tpu.memory_space<hbm>> -> memref<1x64xf32, #tpu.memory_space<hbm>>
      %dma_wait3A_148 = arith.constant 0 : i32
      %dma_wait3A_149 = tpu.memref_slice %arg10[%add3A_142, %dma_wait3A_148] : memref<512x64xf32, #tpu.memory_space<vmem>> -> memref<1x64xf32, #tpu.memory_space<vmem>>
      %dma_wait3A_150 = arith.constant 0 : i32
      %dma_wait3A_151 = arith.constant 0 : i32
      %dma_wait3A_152 = tpu.memref_slice %arg2[%dma_wait3A_150, %dma_wait3A_151] : memref<1000000x64xf32, #tpu.memory_space<hbm>> -> memref<1x64xf32, #tpu.memory_space<hbm>>
      tpu.wait_dma2 semaphore(%arg11 : memref<!tpu.dma_semaphore, #tpu.memory_space<semaphore_mem>>) src(%dma_wait3A_152 : memref<1x64xf32, #tpu.memory_space<hbm>>) dst(%dma_wait3A_149 : memref<1x64xf32, #tpu.memory_space<vmem>>)
      %mul3A_153 = arith.constant 16 : i32
      %mul3A_154 = arith.muli %scan3A_27, %mul3A_153 : i32
      %add3A_155 = arith.constant 9 : i32
      %add3A_156 = arith.addi %mul3A_154, %add3A_155 : i32
      %dma_wait3A_157 = arith.constant 0 : i32
      %dma_wait3A_158 = tpu.memref_slice %arg10[%add3A_156, %dma_wait3A_157] : memref<512x64xf32, #tpu.memory_space<vmem>> -> memref<1x64xf32, #tpu.memory_space<vmem>>
      %dma_wait3A_159 = arith.constant 0 : i32
      %dma_wait3A_160 = arith.constant 0 : i32
      %dma_wait3A_161 = tpu.memref_slice %arg2[%dma_wait3A_159, %dma_wait3A_160] : memref<1000000x64xf32, #tpu.memory_space<hbm>> -> memref<1x64xf32, #tpu.memory_space<hbm>>
      %dma_wait3A_162 = arith.constant 0 : i32
      %dma_wait3A_163 = tpu.memref_slice %arg10[%add3A_156, %dma_wait3A_162] : memref<512x64xf32, #tpu.memory_space<vmem>> -> memref<1x64xf32, #tpu.memory_space<vmem>>
      %dma_wait3A_164 = arith.constant 0 : i32
      %dma_wait3A_165 = arith.constant 0 : i32
      %dma_wait3A_166 = tpu.memref_slice %arg2[%dma_wait3A_164, %dma_wait3A_165] : memref<1000000x64xf32, #tpu.memory_space<hbm>> -> memref<1x64xf32, #tpu.memory_space<hbm>>
      tpu.wait_dma2 semaphore(%arg11 : memref<!tpu.dma_semaphore, #tpu.memory_space<semaphore_mem>>) src(%dma_wait3A_166 : memref<1x64xf32, #tpu.memory_space<hbm>>) dst(%dma_wait3A_163 : memref<1x64xf32, #tpu.memory_space<vmem>>)
      %mul3A_167 = arith.constant 16 : i32
      %mul3A_168 = arith.muli %scan3A_27, %mul3A_167 : i32
      %add3A_169 = arith.constant 10 : i32
      %add3A_170 = arith.addi %mul3A_168, %add3A_169 : i32
      %dma_wait3A_171 = arith.constant 0 : i32
      %dma_wait3A_172 = tpu.memref_slice %arg10[%add3A_170, %dma_wait3A_171] : memref<512x64xf32, #tpu.memory_space<vmem>> -> memref<1x64xf32, #tpu.memory_space<vmem>>
      %dma_wait3A_173 = arith.constant 0 : i32
      %dma_wait3A_174 = arith.constant 0 : i32
      %dma_wait3A_175 = tpu.memref_slice %arg2[%dma_wait3A_173, %dma_wait3A_174] : memref<1000000x64xf32, #tpu.memory_space<hbm>> -> memref<1x64xf32, #tpu.memory_space<hbm>>
      %dma_wait3A_176 = arith.constant 0 : i32
      %dma_wait3A_177 = tpu.memref_slice %arg10[%add3A_170, %dma_wait3A_176] : memref<512x64xf32, #tpu.memory_space<vmem>> -> memref<1x64xf32, #tpu.memory_space<vmem>>
      %dma_wait3A_178 = arith.constant 0 : i32
      %dma_wait3A_179 = arith.constant 0 : i32
      %dma_wait3A_180 = tpu.memref_slice %arg2[%dma_wait3A_178, %dma_wait3A_179] : memref<1000000x64xf32, #tpu.memory_space<hbm>> -> memref<1x64xf32, #tpu.memory_space<hbm>>
      tpu.wait_dma2 semaphore(%arg11 : memref<!tpu.dma_semaphore, #tpu.memory_space<semaphore_mem>>) src(%dma_wait3A_180 : memref<1x64xf32, #tpu.memory_space<hbm>>) dst(%dma_wait3A_177 : memref<1x64xf32, #tpu.memory_space<vmem>>)
      %mul3A_181 = arith.constant 16 : i32
      %mul3A_182 = arith.muli %scan3A_27, %mul3A_181 : i32
      %add3A_183 = arith.constant 11 : i32
      %add3A_184 = arith.addi %mul3A_182, %add3A_183 : i32
      %dma_wait3A_185 = arith.constant 0 : i32
      %dma_wait3A_186 = tpu.memref_slice %arg10[%add3A_184, %dma_wait3A_185] : memref<512x64xf32, #tpu.memory_space<vmem>> -> memref<1x64xf32, #tpu.memory_space<vmem>>
      %dma_wait3A_187 = arith.constant 0 : i32
      %dma_wait3A_188 = arith.constant 0 : i32
      %dma_wait3A_189 = tpu.memref_slice %arg2[%dma_wait3A_187, %dma_wait3A_188] : memref<1000000x64xf32, #tpu.memory_space<hbm>> -> memref<1x64xf32, #tpu.memory_space<hbm>>
      %dma_wait3A_190 = arith.constant 0 : i32
      %dma_wait3A_191 = tpu.memref_slice %arg10[%add3A_184, %dma_wait3A_190] : memref<512x64xf32, #tpu.memory_space<vmem>> -> memref<1x64xf32, #tpu.memory_space<vmem>>
      %dma_wait3A_192 = arith.constant 0 : i32
      %dma_wait3A_193 = arith.constant 0 : i32
      %dma_wait3A_194 = tpu.memref_slice %arg2[%dma_wait3A_192, %dma_wait3A_193] : memref<1000000x64xf32, #tpu.memory_space<hbm>> -> memref<1x64xf32, #tpu.memory_space<hbm>>
      tpu.wait_dma2 semaphore(%arg11 : memref<!tpu.dma_semaphore, #tpu.memory_space<semaphore_mem>>) src(%dma_wait3A_194 : memref<1x64xf32, #tpu.memory_space<hbm>>) dst(%dma_wait3A_191 : memref<1x64xf32, #tpu.memory_space<vmem>>)
      %mul3A_195 = arith.constant 16 : i32
      %mul3A_196 = arith.muli %scan3A_27, %mul3A_195 : i32
      %add3A_197 = arith.constant 12 : i32
      %add3A_198 = arith.addi %mul3A_196, %add3A_197 : i32
      %dma_wait3A_199 = arith.constant 0 : i32
      %dma_wait3A_200 = tpu.memref_slice %arg10[%add3A_198, %dma_wait3A_199] : memref<512x64xf32, #tpu.memory_space<vmem>> -> memref<1x64xf32, #tpu.memory_space<vmem>>
      %dma_wait3A_201 = arith.constant 0 : i32
      %dma_wait3A_202 = arith.constant 0 : i32
      %dma_wait3A_203 = tpu.memref_slice %arg2[%dma_wait3A_201, %dma_wait3A_202] : memref<1000000x64xf32, #tpu.memory_space<hbm>> -> memref<1x64xf32, #tpu.memory_space<hbm>>
      %dma_wait3A_204 = arith.constant 0 : i32
      %dma_wait3A_205 = tpu.memref_slice %arg10[%add3A_198, %dma_wait3A_204] : memref<512x64xf32, #tpu.memory_space<vmem>> -> memref<1x64xf32, #tpu.memory_space<vmem>>
      %dma_wait3A_206 = arith.constant 0 : i32
      %dma_wait3A_207 = arith.constant 0 : i32
      %dma_wait3A_208 = tpu.memref_slice %arg2[%dma_wait3A_206, %dma_wait3A_207] : memref<1000000x64xf32, #tpu.memory_space<hbm>> -> memref<1x64xf32, #tpu.memory_space<hbm>>
      tpu.wait_dma2 semaphore(%arg11 : memref<!tpu.dma_semaphore, #tpu.memory_space<semaphore_mem>>) src(%dma_wait3A_208 : memref<1x64xf32, #tpu.memory_space<hbm>>) dst(%dma_wait3A_205 : memref<1x64xf32, #tpu.memory_space<vmem>>)
      %mul3A_209 = arith.constant 16 : i32
      %mul3A_210 = arith.muli %scan3A_27, %mul3A_209 : i32
      %add3A_211 = arith.constant 13 : i32
      %add3A_212 = arith.addi %mul3A_210, %add3A_211 : i32
      %dma_wait3A_213 = arith.constant 0 : i32
      %dma_wait3A_214 = tpu.memref_slice %arg10[%add3A_212, %dma_wait3A_213] : memref<512x64xf32, #tpu.memory_space<vmem>> -> memref<1x64xf32, #tpu.memory_space<vmem>>
      %dma_wait3A_215 = arith.constant 0 : i32
      %dma_wait3A_216 = arith.constant 0 : i32
      %dma_wait3A_217 = tpu.memref_slice %arg2[%dma_wait3A_215, %dma_wait3A_216] : memref<1000000x64xf32, #tpu.memory_space<hbm>> -> memref<1x64xf32, #tpu.memory_space<hbm>>
      %dma_wait3A_218 = arith.constant 0 : i32
      %dma_wait3A_219 = tpu.memref_slice %arg10[%add3A_212, %dma_wait3A_218] : memref<512x64xf32, #tpu.memory_space<vmem>> -> memref<1x64xf32, #tpu.memory_space<vmem>>
      %dma_wait3A_220 = arith.constant 0 : i32
      %dma_wait3A_221 = arith.constant 0 : i32
      %dma_wait3A_222 = tpu.memref_slice %arg2[%dma_wait3A_220, %dma_wait3A_221] : memref<1000000x64xf32, #tpu.memory_space<hbm>> -> memref<1x64xf32, #tpu.memory_space<hbm>>
      tpu.wait_dma2 semaphore(%arg11 : memref<!tpu.dma_semaphore, #tpu.memory_space<semaphore_mem>>) src(%dma_wait3A_222 : memref<1x64xf32, #tpu.memory_space<hbm>>) dst(%dma_wait3A_219 : memref<1x64xf32, #tpu.memory_space<vmem>>)
      %mul3A_223 = arith.constant 16 : i32
      %mul3A_224 = arith.muli %scan3A_27, %mul3A_223 : i32
      %add3A_225 = arith.constant 14 : i32
      %add3A_226 = arith.addi %mul3A_224, %add3A_225 : i32
      %dma_wait3A_227 = arith.constant 0 : i32
      %dma_wait3A_228 = tpu.memref_slice %arg10[%add3A_226, %dma_wait3A_227] : memref<512x64xf32, #tpu.memory_space<vmem>> -> memref<1x64xf32, #tpu.memory_space<vmem>>
      %dma_wait3A_229 = arith.constant 0 : i32
      %dma_wait3A_230 = arith.constant 0 : i32
      %dma_wait3A_231 = tpu.memref_slice %arg2[%dma_wait3A_229, %dma_wait3A_230] : memref<1000000x64xf32, #tpu.memory_space<hbm>> -> memref<1x64xf32, #tpu.memory_space<hbm>>
      %dma_wait3A_232 = arith.constant 0 : i32
      %dma_wait3A_233 = tpu.memref_slice %arg10[%add3A_226, %dma_wait3A_232] : memref<512x64xf32, #tpu.memory_space<vmem>> -> memref<1x64xf32, #tpu.memory_space<vmem>>
      %dma_wait3A_234 = arith.constant 0 : i32
      %dma_wait3A_235 = arith.constant 0 : i32
      %dma_wait3A_236 = tpu.memref_slice %arg2[%dma_wait3A_234, %dma_wait3A_235] : memref<1000000x64xf32, #tpu.memory_space<hbm>> -> memref<1x64xf32, #tpu.memory_space<hbm>>
      tpu.wait_dma2 semaphore(%arg11 : memref<!tpu.dma_semaphore, #tpu.memory_space<semaphore_mem>>) src(%dma_wait3A_236 : memref<1x64xf32, #tpu.memory_space<hbm>>) dst(%dma_wait3A_233 : memref<1x64xf32, #tpu.memory_space<vmem>>)
      %mul3A_237 = arith.constant 16 : i32
      %mul3A_238 = arith.muli %scan3A_27, %mul3A_237 : i32
      %add3A_239 = arith.constant 15 : i32
      %add3A_240 = arith.addi %mul3A_238, %add3A_239 : i32
      %dma_wait3A_241 = arith.constant 0 : i32
      %dma_wait3A_242 = tpu.memref_slice %arg10[%add3A_240, %dma_wait3A_241] : memref<512x64xf32, #tpu.memory_space<vmem>> -> memref<1x64xf32, #tpu.memory_space<vmem>>
      %dma_wait3A_243 = arith.constant 0 : i32
      %dma_wait3A_244 = arith.constant 0 : i32
      %dma_wait3A_245 = tpu.memref_slice %arg2[%dma_wait3A_243, %dma_wait3A_244] : memref<1000000x64xf32, #tpu.memory_space<hbm>> -> memref<1x64xf32, #tpu.memory_space<hbm>>
      %dma_wait3A_246 = arith.constant 0 : i32
      %dma_wait3A_247 = tpu.memref_slice %arg10[%add3A_240, %dma_wait3A_246] : memref<512x64xf32, #tpu.memory_space<vmem>> -> memref<1x64xf32, #tpu.memory_space<vmem>>
      %dma_wait3A_248 = arith.constant 0 : i32
      %dma_wait3A_249 = arith.constant 0 : i32
      %dma_wait3A_250 = tpu.memref_slice %arg2[%dma_wait3A_248, %dma_wait3A_249] : memref<1000000x64xf32, #tpu.memory_space<hbm>> -> memref<1x64xf32, #tpu.memory_space<hbm>>
      tpu.wait_dma2 semaphore(%arg11 : memref<!tpu.dma_semaphore, #tpu.memory_space<semaphore_mem>>) src(%dma_wait3A_250 : memref<1x64xf32, #tpu.memory_space<hbm>>) dst(%dma_wait3A_247 : memref<1x64xf32, #tpu.memory_space<vmem>>)
    }
    %scan3A_13 = arith.constant 32 : i32
    "tpu.region"() ({
      %run_scoped3A = tpu.sem_alloc : memref<!tpu.dma_semaphore, #tpu.memory_space<semaphore_mem>>
      %dma_start3A = arith.constant 0 : i32
      %dma_start3A_27 = tpu.memref_slice %arg6[%mul3A_2, %dma_start3A] : memref<16384x64xf32, #tpu.memory_space<hbm>> -> memref<512x64xf32, #tpu.memory_space<hbm>>
      %dma_start3A_28 = arith.constant 0 : i32
      %dma_start3A_29 = tpu.memref_slice %arg6[%mul3A_2, %dma_start3A_28] : memref<16384x64xf32, #tpu.memory_space<hbm>> -> memref<512x64xf32, #tpu.memory_space<hbm>>
      tpu.enqueue_dma source(%arg10 : memref<512x64xf32, #tpu.memory_space<vmem>>) target(%dma_start3A_29 : memref<512x64xf32, #tpu.memory_space<hbm>>) target_semaphore(%run_scoped3A : memref<!tpu.dma_semaphore, #tpu.memory_space<semaphore_mem>>)
      %dma_wait3A = arith.constant 0 : i32
      %dma_wait3A_30 = tpu.memref_slice %arg6[%mul3A_2, %dma_wait3A] : memref<16384x64xf32, #tpu.memory_space<hbm>> -> memref<512x64xf32, #tpu.memory_space<hbm>>
      %dma_wait3A_31 = arith.constant 0 : i32
      %dma_wait3A_32 = tpu.memref_slice %arg6[%mul3A_2, %dma_wait3A_31] : memref<16384x64xf32, #tpu.memory_space<hbm>> -> memref<512x64xf32, #tpu.memory_space<hbm>>
      tpu.wait_dma2 semaphore(%run_scoped3A : memref<!tpu.dma_semaphore, #tpu.memory_space<semaphore_mem>>) src(%arg10 : memref<512x64xf32, #tpu.memory_space<vmem>>) dst(%dma_wait3A_32 : memref<512x64xf32, #tpu.memory_space<hbm>>)
      tpu.yield
    }) : () -> ()
    %iota3A_14 = tpu.iota {dimensions = array<i32: 0>} : vector<16xi32>
    %scan3A_15 = arith.constant 0 : i32
    %scan3A_16 = arith.constant 0 : i32
    %scan3A_17 = arith.constant 32 : i32
    %scan3A_18 = arith.addi %scan3A_16, %scan3A_17 : i32
    %scan3A_19 = arith.constant 1 : i32
    scf.for %scan3A_27 = %scan3A_16 to %scan3A_18 step %scan3A_19  : i32 {
      %mul3A_28 = arith.constant 16 : i32
      %mul3A_29 = arith.muli %scan3A_27, %mul3A_28 : i32
      %get3A = arith.index_cast %mul3A_29 : i32 to index
      %get3A_30 = tpu.vector_load %arg9[%get3A] {strides = array<i32>} : memref<512xi32, #tpu.memory_space<vmem>>, vector<16xi32>,
      %eq3A = arith.constant 0 : i32
      %eq3A_31 = vector.broadcast %eq3A : i32 to vector<16xi32>
      %eq3A_32 = arith.cmpi eq, %iota3A_14, %eq3A_31 : vector<16xi32>
      %jit3A = arith.constant 0 : i32
      %broadcast_in_dim3A = vector.broadcast %jit3A : i32 to vector<16xi32>
      %select_n3A = arith.select %eq3A_32, %get3A_30, %broadcast_in_dim3A : vector<16xi1>, vector<16xi32>
      %reduce_max3A = arith.constant true
      %reduce_max3A_33 = vector.broadcast %reduce_max3A : i1 to vector<16xi1>
      %reduce_max3A_34 = arith.constant -2147483648 : i32
      %reduce_max3A_35 = vector.broadcast %reduce_max3A_34 : i32 to vector<16xi32>
      %reduce_max3A_36 = arith.xori %select_n3A, %reduce_max3A_35 : vector<16xi32>
      %reduce_max3A_37 = tpu.scan <max>, %reduce_max3A_36 masked %reduce_max3A_33 : vector<16xi32>, vector<16xi1> -> vector<16xi32>
      %reduce_max3A_38 = arith.xori %reduce_max3A_37, %reduce_max3A_35 : vector<16xi32>
      %reduce_max3A_39 = vector.extract %reduce_max3A_38[15] : i32 from vector<16xi32>
      %mul3A_40 = arith.constant 16 : i32
      %mul3A_41 = arith.muli %scan3A_27, %mul3A_40 : i32
      %add3A_42 = arith.constant 0 : i32
      %add3A_43 = arith.addi %mul3A_41, %add3A_42 : i32
      %dma_start3A = arith.constant 0 : i32
      %dma_start3A_44 = tpu.memref_slice %arg10[%add3A_43, %dma_start3A] : memref<512x64xf32, #tpu.memory_space<vmem>> -> memref<1x64xf32, #tpu.memory_space<vmem>>
      %dma_start3A_45 = arith.constant 0 : i32
      %dma_start3A_46 = tpu.memref_slice %arg3[%reduce_max3A_39, %dma_start3A_45] : memref<1000000x64xf32, #tpu.memory_space<hbm>> -> memref<1x64xf32, #tpu.memory_space<hbm>>
      %dma_start3A_47 = arith.constant 0 : i32
      %dma_start3A_48 = tpu.memref_slice %arg10[%add3A_43, %dma_start3A_47] : memref<512x64xf32, #tpu.memory_space<vmem>> -> memref<1x64xf32, #tpu.memory_space<vmem>>
      %dma_start3A_49 = arith.constant 0 : i32
      %dma_start3A_50 = tpu.memref_slice %arg3[%reduce_max3A_39, %dma_start3A_49] : memref<1000000x64xf32, #tpu.memory_space<hbm>> -> memref<1x64xf32, #tpu.memory_space<hbm>>
      tpu.enqueue_dma source(%dma_start3A_50 : memref<1x64xf32, #tpu.memory_space<hbm>>) target(%dma_start3A_48 : memref<1x64xf32, #tpu.memory_space<vmem>>) target_semaphore(%arg11 : memref<!tpu.dma_semaphore, #tpu.memory_space<semaphore_mem>>)
      %eq3A_51 = arith.constant 1 : i32
      %eq3A_52 = vector.broadcast %eq3A_51 : i32 to vector<16xi32>
      %eq3A_53 = arith.cmpi eq, %iota3A_14, %eq3A_52 : vector<16xi32>
      %jit3A_54 = arith.constant 0 : i32
      %broadcast_in_dim3A_55 = vector.broadcast %jit3A_54 : i32 to vector<16xi32>
      %select_n3A_56 = arith.select %eq3A_53, %get3A_30, %broadcast_in_dim3A_55 : vector<16xi1>, vector<16xi32>
      %reduce_max3A_57 = arith.constant true
      %reduce_max3A_58 = vector.broadcast %reduce_max3A_57 : i1 to vector<16xi1>
      %reduce_max3A_59 = arith.constant -2147483648 : i32
      %reduce_max3A_60 = vector.broadcast %reduce_max3A_59 : i32 to vector<16xi32>
      %reduce_max3A_61 = arith.xori %select_n3A_56, %reduce_max3A_60 : vector<16xi32>
      %reduce_max3A_62 = tpu.scan <max>, %reduce_max3A_61 masked %reduce_max3A_58 : vector<16xi32>, vector<16xi1> -> vector<16xi32>
      %reduce_max3A_63 = arith.xori %reduce_max3A_62, %reduce_max3A_60 : vector<16xi32>
      %reduce_max3A_64 = vector.extract %reduce_max3A_63[15] : i32 from vector<16xi32>
      %mul3A_65 = arith.constant 16 : i32
      %mul3A_66 = arith.muli %scan3A_27, %mul3A_65 : i32
      %add3A_67 = arith.constant 1 : i32
      %add3A_68 = arith.addi %mul3A_66, %add3A_67 : i32
      %dma_start3A_69 = arith.constant 0 : i32
      %dma_start3A_70 = tpu.memref_slice %arg10[%add3A_68, %dma_start3A_69] : memref<512x64xf32, #tpu.memory_space<vmem>> -> memref<1x64xf32, #tpu.memory_space<vmem>>
      %dma_start3A_71 = arith.constant 0 : i32
      %dma_start3A_72 = tpu.memref_slice %arg3[%reduce_max3A_64, %dma_start3A_71] : memref<1000000x64xf32, #tpu.memory_space<hbm>> -> memref<1x64xf32, #tpu.memory_space<hbm>>
      %dma_start3A_73 = arith.constant 0 : i32
      %dma_start3A_74 = tpu.memref_slice %arg10[%add3A_68, %dma_start3A_73] : memref<512x64xf32, #tpu.memory_space<vmem>> -> memref<1x64xf32, #tpu.memory_space<vmem>>
      %dma_start3A_75 = arith.constant 0 : i32
      %dma_start3A_76 = tpu.memref_slice %arg3[%reduce_max3A_64, %dma_start3A_75] : memref<1000000x64xf32, #tpu.memory_space<hbm>> -> memref<1x64xf32, #tpu.memory_space<hbm>>
      tpu.enqueue_dma source(%dma_start3A_76 : memref<1x64xf32, #tpu.memory_space<hbm>>) target(%dma_start3A_74 : memref<1x64xf32, #tpu.memory_space<vmem>>) target_semaphore(%arg11 : memref<!tpu.dma_semaphore, #tpu.memory_space<semaphore_mem>>)
      %eq3A_77 = arith.constant 2 : i32
      %eq3A_78 = vector.broadcast %eq3A_77 : i32 to vector<16xi32>
      %eq3A_79 = arith.cmpi eq, %iota3A_14, %eq3A_78 : vector<16xi32>
      %jit3A_80 = arith.constant 0 : i32
      %broadcast_in_dim3A_81 = vector.broadcast %jit3A_80 : i32 to vector<16xi32>
      %select_n3A_82 = arith.select %eq3A_79, %get3A_30, %broadcast_in_dim3A_81 : vector<16xi1>, vector<16xi32>
      %reduce_max3A_83 = arith.constant true
      %reduce_max3A_84 = vector.broadcast %reduce_max3A_83 : i1 to vector<16xi1>
      %reduce_max3A_85 = arith.constant -2147483648 : i32
      %reduce_max3A_86 = vector.broadcast %reduce_max3A_85 : i32 to vector<16xi32>
      %reduce_max3A_87 = arith.xori %select_n3A_82, %reduce_max3A_86 : vector<16xi32>
      %reduce_max3A_88 = tpu.scan <max>, %reduce_max3A_87 masked %reduce_max3A_84 : vector<16xi32>, vector<16xi1> -> vector<16xi32>
      %reduce_max3A_89 = arith.xori %reduce_max3A_88, %reduce_max3A_86 : vector<16xi32>
      %reduce_max3A_90 = vector.extract %reduce_max3A_89[15] : i32 from vector<16xi32>
      %mul3A_91 = arith.constant 16 : i32
      %mul3A_92 = arith.muli %scan3A_27, %mul3A_91 : i32
      %add3A_93 = arith.constant 2 : i32
      %add3A_94 = arith.addi %mul3A_92, %add3A_93 : i32
      %dma_start3A_95 = arith.constant 0 : i32
      %dma_start3A_96 = tpu.memref_slice %arg10[%add3A_94, %dma_start3A_95] : memref<512x64xf32, #tpu.memory_space<vmem>> -> memref<1x64xf32, #tpu.memory_space<vmem>>
      %dma_start3A_97 = arith.constant 0 : i32
      %dma_start3A_98 = tpu.memref_slice %arg3[%reduce_max3A_90, %dma_start3A_97] : memref<1000000x64xf32, #tpu.memory_space<hbm>> -> memref<1x64xf32, #tpu.memory_space<hbm>>
      %dma_start3A_99 = arith.constant 0 : i32
      %dma_start3A_100 = tpu.memref_slice %arg10[%add3A_94, %dma_start3A_99] : memref<512x64xf32, #tpu.memory_space<vmem>> -> memref<1x64xf32, #tpu.memory_space<vmem>>
      %dma_start3A_101 = arith.constant 0 : i32
      %dma_start3A_102 = tpu.memref_slice %arg3[%reduce_max3A_90, %dma_start3A_101] : memref<1000000x64xf32, #tpu.memory_space<hbm>> -> memref<1x64xf32, #tpu.memory_space<hbm>>
      tpu.enqueue_dma source(%dma_start3A_102 : memref<1x64xf32, #tpu.memory_space<hbm>>) target(%dma_start3A_100 : memref<1x64xf32, #tpu.memory_space<vmem>>) target_semaphore(%arg11 : memref<!tpu.dma_semaphore, #tpu.memory_space<semaphore_mem>>)
      %eq3A_103 = arith.constant 3 : i32
      %eq3A_104 = vector.broadcast %eq3A_103 : i32 to vector<16xi32>
      %eq3A_105 = arith.cmpi eq, %iota3A_14, %eq3A_104 : vector<16xi32>
      %jit3A_106 = arith.constant 0 : i32
      %broadcast_in_dim3A_107 = vector.broadcast %jit3A_106 : i32 to vector<16xi32>
      %select_n3A_108 = arith.select %eq3A_105, %get3A_30, %broadcast_in_dim3A_107 : vector<16xi1>, vector<16xi32>
      %reduce_max3A_109 = arith.constant true
      %reduce_max3A_110 = vector.broadcast %reduce_max3A_109 : i1 to vector<16xi1>
      %reduce_max3A_111 = arith.constant -2147483648 : i32
      %reduce_max3A_112 = vector.broadcast %reduce_max3A_111 : i32 to vector<16xi32>
      %reduce_max3A_113 = arith.xori %select_n3A_108, %reduce_max3A_112 : vector<16xi32>
      %reduce_max3A_114 = tpu.scan <max>, %reduce_max3A_113 masked %reduce_max3A_110 : vector<16xi32>, vector<16xi1> -> vector<16xi32>
      %reduce_max3A_115 = arith.xori %reduce_max3A_114, %reduce_max3A_112 : vector<16xi32>
      %reduce_max3A_116 = vector.extract %reduce_max3A_115[15] : i32 from vector<16xi32>
      %mul3A_117 = arith.constant 16 : i32
      %mul3A_118 = arith.muli %scan3A_27, %mul3A_117 : i32
      %add3A_119 = arith.constant 3 : i32
      %add3A_120 = arith.addi %mul3A_118, %add3A_119 : i32
      %dma_start3A_121 = arith.constant 0 : i32
      %dma_start3A_122 = tpu.memref_slice %arg10[%add3A_120, %dma_start3A_121] : memref<512x64xf32, #tpu.memory_space<vmem>> -> memref<1x64xf32, #tpu.memory_space<vmem>>
      %dma_start3A_123 = arith.constant 0 : i32
      %dma_start3A_124 = tpu.memref_slice %arg3[%reduce_max3A_116, %dma_start3A_123] : memref<1000000x64xf32, #tpu.memory_space<hbm>> -> memref<1x64xf32, #tpu.memory_space<hbm>>
      %dma_start3A_125 = arith.constant 0 : i32
      %dma_start3A_126 = tpu.memref_slice %arg10[%add3A_120, %dma_start3A_125] : memref<512x64xf32, #tpu.memory_space<vmem>> -> memref<1x64xf32, #tpu.memory_space<vmem>>
      %dma_start3A_127 = arith.constant 0 : i32
      %dma_start3A_128 = tpu.memref_slice %arg3[%reduce_max3A_116, %dma_start3A_127] : memref<1000000x64xf32, #tpu.memory_space<hbm>> -> memref<1x64xf32, #tpu.memory_space<hbm>>
      tpu.enqueue_dma source(%dma_start3A_128 : memref<1x64xf32, #tpu.memory_space<hbm>>) target(%dma_start3A_126 : memref<1x64xf32, #tpu.memory_space<vmem>>) target_semaphore(%arg11 : memref<!tpu.dma_semaphore, #tpu.memory_space<semaphore_mem>>)
      %eq3A_129 = arith.constant 4 : i32
      %eq3A_130 = vector.broadcast %eq3A_129 : i32 to vector<16xi32>
      %eq3A_131 = arith.cmpi eq, %iota3A_14, %eq3A_130 : vector<16xi32>
      %jit3A_132 = arith.constant 0 : i32
      %broadcast_in_dim3A_133 = vector.broadcast %jit3A_132 : i32 to vector<16xi32>
      %select_n3A_134 = arith.select %eq3A_131, %get3A_30, %broadcast_in_dim3A_133 : vector<16xi1>, vector<16xi32>
      %reduce_max3A_135 = arith.constant true
      %reduce_max3A_136 = vector.broadcast %reduce_max3A_135 : i1 to vector<16xi1>
      %reduce_max3A_137 = arith.constant -2147483648 : i32
      %reduce_max3A_138 = vector.broadcast %reduce_max3A_137 : i32 to vector<16xi32>
      %reduce_max3A_139 = arith.xori %select_n3A_134, %reduce_max3A_138 : vector<16xi32>
      %reduce_max3A_140 = tpu.scan <max>, %reduce_max3A_139 masked %reduce_max3A_136 : vector<16xi32>, vector<16xi1> -> vector<16xi32>
      %reduce_max3A_141 = arith.xori %reduce_max3A_140, %reduce_max3A_138 : vector<16xi32>
      %reduce_max3A_142 = vector.extract %reduce_max3A_141[15] : i32 from vector<16xi32>
      %mul3A_143 = arith.constant 16 : i32
      %mul3A_144 = arith.muli %scan3A_27, %mul3A_143 : i32
      %add3A_145 = arith.constant 4 : i32
      %add3A_146 = arith.addi %mul3A_144, %add3A_145 : i32
      %dma_start3A_147 = arith.constant 0 : i32
      %dma_start3A_148 = tpu.memref_slice %arg10[%add3A_146, %dma_start3A_147] : memref<512x64xf32, #tpu.memory_space<vmem>> -> memref<1x64xf32, #tpu.memory_space<vmem>>
      %dma_start3A_149 = arith.constant 0 : i32
      %dma_start3A_150 = tpu.memref_slice %arg3[%reduce_max3A_142, %dma_start3A_149] : memref<1000000x64xf32, #tpu.memory_space<hbm>> -> memref<1x64xf32, #tpu.memory_space<hbm>>
      %dma_start3A_151 = arith.constant 0 : i32
      %dma_start3A_152 = tpu.memref_slice %arg10[%add3A_146, %dma_start3A_151] : memref<512x64xf32, #tpu.memory_space<vmem>> -> memref<1x64xf32, #tpu.memory_space<vmem>>
      %dma_start3A_153 = arith.constant 0 : i32
      %dma_start3A_154 = tpu.memref_slice %arg3[%reduce_max3A_142, %dma_start3A_153] : memref<1000000x64xf32, #tpu.memory_space<hbm>> -> memref<1x64xf32, #tpu.memory_space<hbm>>
      tpu.enqueue_dma source(%dma_start3A_154 : memref<1x64xf32, #tpu.memory_space<hbm>>) target(%dma_start3A_152 : memref<1x64xf32, #tpu.memory_space<vmem>>) target_semaphore(%arg11 : memref<!tpu.dma_semaphore, #tpu.memory_space<semaphore_mem>>)
      %eq3A_155 = arith.constant 5 : i32
      %eq3A_156 = vector.broadcast %eq3A_155 : i32 to vector<16xi32>
      %eq3A_157 = arith.cmpi eq, %iota3A_14, %eq3A_156 : vector<16xi32>
      %jit3A_158 = arith.constant 0 : i32
      %broadcast_in_dim3A_159 = vector.broadcast %jit3A_158 : i32 to vector<16xi32>
      %select_n3A_160 = arith.select %eq3A_157, %get3A_30, %broadcast_in_dim3A_159 : vector<16xi1>, vector<16xi32>
      %reduce_max3A_161 = arith.constant true
      %reduce_max3A_162 = vector.broadcast %reduce_max3A_161 : i1 to vector<16xi1>
      %reduce_max3A_163 = arith.constant -2147483648 : i32
      %reduce_max3A_164 = vector.broadcast %reduce_max3A_163 : i32 to vector<16xi32>
      %reduce_max3A_165 = arith.xori %select_n3A_160, %reduce_max3A_164 : vector<16xi32>
      %reduce_max3A_166 = tpu.scan <max>, %reduce_max3A_165 masked %reduce_max3A_162 : vector<16xi32>, vector<16xi1> -> vector<16xi32>
      %reduce_max3A_167 = arith.xori %reduce_max3A_166, %reduce_max3A_164 : vector<16xi32>
      %reduce_max3A_168 = vector.extract %reduce_max3A_167[15] : i32 from vector<16xi32>
      %mul3A_169 = arith.constant 16 : i32
      %mul3A_170 = arith.muli %scan3A_27, %mul3A_169 : i32
      %add3A_171 = arith.constant 5 : i32
      %add3A_172 = arith.addi %mul3A_170, %add3A_171 : i32
      %dma_start3A_173 = arith.constant 0 : i32
      %dma_start3A_174 = tpu.memref_slice %arg10[%add3A_172, %dma_start3A_173] : memref<512x64xf32, #tpu.memory_space<vmem>> -> memref<1x64xf32, #tpu.memory_space<vmem>>
      %dma_start3A_175 = arith.constant 0 : i32
      %dma_start3A_176 = tpu.memref_slice %arg3[%reduce_max3A_168, %dma_start3A_175] : memref<1000000x64xf32, #tpu.memory_space<hbm>> -> memref<1x64xf32, #tpu.memory_space<hbm>>
      %dma_start3A_177 = arith.constant 0 : i32
      %dma_start3A_178 = tpu.memref_slice %arg10[%add3A_172, %dma_start3A_177] : memref<512x64xf32, #tpu.memory_space<vmem>> -> memref<1x64xf32, #tpu.memory_space<vmem>>
      %dma_start3A_179 = arith.constant 0 : i32
      %dma_start3A_180 = tpu.memref_slice %arg3[%reduce_max3A_168, %dma_start3A_179] : memref<1000000x64xf32, #tpu.memory_space<hbm>> -> memref<1x64xf32, #tpu.memory_space<hbm>>
      tpu.enqueue_dma source(%dma_start3A_180 : memref<1x64xf32, #tpu.memory_space<hbm>>) target(%dma_start3A_178 : memref<1x64xf32, #tpu.memory_space<vmem>>) target_semaphore(%arg11 : memref<!tpu.dma_semaphore, #tpu.memory_space<semaphore_mem>>)
      %eq3A_181 = arith.constant 6 : i32
      %eq3A_182 = vector.broadcast %eq3A_181 : i32 to vector<16xi32>
      %eq3A_183 = arith.cmpi eq, %iota3A_14, %eq3A_182 : vector<16xi32>
      %jit3A_184 = arith.constant 0 : i32
      %broadcast_in_dim3A_185 = vector.broadcast %jit3A_184 : i32 to vector<16xi32>
      %select_n3A_186 = arith.select %eq3A_183, %get3A_30, %broadcast_in_dim3A_185 : vector<16xi1>, vector<16xi32>
      %reduce_max3A_187 = arith.constant true
      %reduce_max3A_188 = vector.broadcast %reduce_max3A_187 : i1 to vector<16xi1>
      %reduce_max3A_189 = arith.constant -2147483648 : i32
      %reduce_max3A_190 = vector.broadcast %reduce_max3A_189 : i32 to vector<16xi32>
      %reduce_max3A_191 = arith.xori %select_n3A_186, %reduce_max3A_190 : vector<16xi32>
      %reduce_max3A_192 = tpu.scan <max>, %reduce_max3A_191 masked %reduce_max3A_188 : vector<16xi32>, vector<16xi1> -> vector<16xi32>
      %reduce_max3A_193 = arith.xori %reduce_max3A_192, %reduce_max3A_190 : vector<16xi32>
      %reduce_max3A_194 = vector.extract %reduce_max3A_193[15] : i32 from vector<16xi32>
      %mul3A_195 = arith.constant 16 : i32
      %mul3A_196 = arith.muli %scan3A_27, %mul3A_195 : i32
      %add3A_197 = arith.constant 6 : i32
      %add3A_198 = arith.addi %mul3A_196, %add3A_197 : i32
      %dma_start3A_199 = arith.constant 0 : i32
      %dma_start3A_200 = tpu.memref_slice %arg10[%add3A_198, %dma_start3A_199] : memref<512x64xf32, #tpu.memory_space<vmem>> -> memref<1x64xf32, #tpu.memory_space<vmem>>
      %dma_start3A_201 = arith.constant 0 : i32
      %dma_start3A_202 = tpu.memref_slice %arg3[%reduce_max3A_194, %dma_start3A_201] : memref<1000000x64xf32, #tpu.memory_space<hbm>> -> memref<1x64xf32, #tpu.memory_space<hbm>>
      %dma_start3A_203 = arith.constant 0 : i32
      %dma_start3A_204 = tpu.memref_slice %arg10[%add3A_198, %dma_start3A_203] : memref<512x64xf32, #tpu.memory_space<vmem>> -> memref<1x64xf32, #tpu.memory_space<vmem>>
      %dma_start3A_205 = arith.constant 0 : i32
      %dma_start3A_206 = tpu.memref_slice %arg3[%reduce_max3A_194, %dma_start3A_205] : memref<1000000x64xf32, #tpu.memory_space<hbm>> -> memref<1x64xf32, #tpu.memory_space<hbm>>
      tpu.enqueue_dma source(%dma_start3A_206 : memref<1x64xf32, #tpu.memory_space<hbm>>) target(%dma_start3A_204 : memref<1x64xf32, #tpu.memory_space<vmem>>) target_semaphore(%arg11 : memref<!tpu.dma_semaphore, #tpu.memory_space<semaphore_mem>>)
      %eq3A_207 = arith.constant 7 : i32
      %eq3A_208 = vector.broadcast %eq3A_207 : i32 to vector<16xi32>
      %eq3A_209 = arith.cmpi eq, %iota3A_14, %eq3A_208 : vector<16xi32>
      %jit3A_210 = arith.constant 0 : i32
      %broadcast_in_dim3A_211 = vector.broadcast %jit3A_210 : i32 to vector<16xi32>
      %select_n3A_212 = arith.select %eq3A_209, %get3A_30, %broadcast_in_dim3A_211 : vector<16xi1>, vector<16xi32>
      %reduce_max3A_213 = arith.constant true
      %reduce_max3A_214 = vector.broadcast %reduce_max3A_213 : i1 to vector<16xi1>
      %reduce_max3A_215 = arith.constant -2147483648 : i32
      %reduce_max3A_216 = vector.broadcast %reduce_max3A_215 : i32 to vector<16xi32>
      %reduce_max3A_217 = arith.xori %select_n3A_212, %reduce_max3A_216 : vector<16xi32>
      %reduce_max3A_218 = tpu.scan <max>, %reduce_max3A_217 masked %reduce_max3A_214 : vector<16xi32>, vector<16xi1> -> vector<16xi32>
      %reduce_max3A_219 = arith.xori %reduce_max3A_218, %reduce_max3A_216 : vector<16xi32>
      %reduce_max3A_220 = vector.extract %reduce_max3A_219[15] : i32 from vector<16xi32>
      %mul3A_221 = arith.constant 16 : i32
      %mul3A_222 = arith.muli %scan3A_27, %mul3A_221 : i32
      %add3A_223 = arith.constant 7 : i32
      %add3A_224 = arith.addi %mul3A_222, %add3A_223 : i32
      %dma_start3A_225 = arith.constant 0 : i32
      %dma_start3A_226 = tpu.memref_slice %arg10[%add3A_224, %dma_start3A_225] : memref<512x64xf32, #tpu.memory_space<vmem>> -> memref<1x64xf32, #tpu.memory_space<vmem>>
      %dma_start3A_227 = arith.constant 0 : i32
      %dma_start3A_228 = tpu.memref_slice %arg3[%reduce_max3A_220, %dma_start3A_227] : memref<1000000x64xf32, #tpu.memory_space<hbm>> -> memref<1x64xf32, #tpu.memory_space<hbm>>
      %dma_start3A_229 = arith.constant 0 : i32
      %dma_start3A_230 = tpu.memref_slice %arg10[%add3A_224, %dma_start3A_229] : memref<512x64xf32, #tpu.memory_space<vmem>> -> memref<1x64xf32, #tpu.memory_space<vmem>>
      %dma_start3A_231 = arith.constant 0 : i32
      %dma_start3A_232 = tpu.memref_slice %arg3[%reduce_max3A_220, %dma_start3A_231] : memref<1000000x64xf32, #tpu.memory_space<hbm>> -> memref<1x64xf32, #tpu.memory_space<hbm>>
      tpu.enqueue_dma source(%dma_start3A_232 : memref<1x64xf32, #tpu.memory_space<hbm>>) target(%dma_start3A_230 : memref<1x64xf32, #tpu.memory_space<vmem>>) target_semaphore(%arg11 : memref<!tpu.dma_semaphore, #tpu.memory_space<semaphore_mem>>)
      %eq3A_233 = arith.constant 8 : i32
      %eq3A_234 = vector.broadcast %eq3A_233 : i32 to vector<16xi32>
      %eq3A_235 = arith.cmpi eq, %iota3A_14, %eq3A_234 : vector<16xi32>
      %jit3A_236 = arith.constant 0 : i32
      %broadcast_in_dim3A_237 = vector.broadcast %jit3A_236 : i32 to vector<16xi32>
      %select_n3A_238 = arith.select %eq3A_235, %get3A_30, %broadcast_in_dim3A_237 : vector<16xi1>, vector<16xi32>
      %reduce_max3A_239 = arith.constant true
      %reduce_max3A_240 = vector.broadcast %reduce_max3A_239 : i1 to vector<16xi1>
      %reduce_max3A_241 = arith.constant -2147483648 : i32
      %reduce_max3A_242 = vector.broadcast %reduce_max3A_241 : i32 to vector<16xi32>
      %reduce_max3A_243 = arith.xori %select_n3A_238, %reduce_max3A_242 : vector<16xi32>
      %reduce_max3A_244 = tpu.scan <max>, %reduce_max3A_243 masked %reduce_max3A_240 : vector<16xi32>, vector<16xi1> -> vector<16xi32>
      %reduce_max3A_245 = arith.xori %reduce_max3A_244, %reduce_max3A_242 : vector<16xi32>
      %reduce_max3A_246 = vector.extract %reduce_max3A_245[15] : i32 from vector<16xi32>
      %mul3A_247 = arith.constant 16 : i32
      %mul3A_248 = arith.muli %scan3A_27, %mul3A_247 : i32
      %add3A_249 = arith.constant 8 : i32
      %add3A_250 = arith.addi %mul3A_248, %add3A_249 : i32
      %dma_start3A_251 = arith.constant 0 : i32
      %dma_start3A_252 = tpu.memref_slice %arg10[%add3A_250, %dma_start3A_251] : memref<512x64xf32, #tpu.memory_space<vmem>> -> memref<1x64xf32, #tpu.memory_space<vmem>>
      %dma_start3A_253 = arith.constant 0 : i32
      %dma_start3A_254 = tpu.memref_slice %arg3[%reduce_max3A_246, %dma_start3A_253] : memref<1000000x64xf32, #tpu.memory_space<hbm>> -> memref<1x64xf32, #tpu.memory_space<hbm>>
      %dma_start3A_255 = arith.constant 0 : i32
      %dma_start3A_256 = tpu.memref_slice %arg10[%add3A_250, %dma_start3A_255] : memref<512x64xf32, #tpu.memory_space<vmem>> -> memref<1x64xf32, #tpu.memory_space<vmem>>
      %dma_start3A_257 = arith.constant 0 : i32
      %dma_start3A_258 = tpu.memref_slice %arg3[%reduce_max3A_246, %dma_start3A_257] : memref<1000000x64xf32, #tpu.memory_space<hbm>> -> memref<1x64xf32, #tpu.memory_space<hbm>>
      tpu.enqueue_dma source(%dma_start3A_258 : memref<1x64xf32, #tpu.memory_space<hbm>>) target(%dma_start3A_256 : memref<1x64xf32, #tpu.memory_space<vmem>>) target_semaphore(%arg11 : memref<!tpu.dma_semaphore, #tpu.memory_space<semaphore_mem>>)
      %eq3A_259 = arith.constant 9 : i32
      %eq3A_260 = vector.broadcast %eq3A_259 : i32 to vector<16xi32>
      %eq3A_261 = arith.cmpi eq, %iota3A_14, %eq3A_260 : vector<16xi32>
      %jit3A_262 = arith.constant 0 : i32
      %broadcast_in_dim3A_263 = vector.broadcast %jit3A_262 : i32 to vector<16xi32>
      %select_n3A_264 = arith.select %eq3A_261, %get3A_30, %broadcast_in_dim3A_263 : vector<16xi1>, vector<16xi32>
      %reduce_max3A_265 = arith.constant true
      %reduce_max3A_266 = vector.broadcast %reduce_max3A_265 : i1 to vector<16xi1>
      %reduce_max3A_267 = arith.constant -2147483648 : i32
      %reduce_max3A_268 = vector.broadcast %reduce_max3A_267 : i32 to vector<16xi32>
      %reduce_max3A_269 = arith.xori %select_n3A_264, %reduce_max3A_268 : vector<16xi32>
      %reduce_max3A_270 = tpu.scan <max>, %reduce_max3A_269 masked %reduce_max3A_266 : vector<16xi32>, vector<16xi1> -> vector<16xi32>
      %reduce_max3A_271 = arith.xori %reduce_max3A_270, %reduce_max3A_268 : vector<16xi32>
      %reduce_max3A_272 = vector.extract %reduce_max3A_271[15] : i32 from vector<16xi32>
      %mul3A_273 = arith.constant 16 : i32
      %mul3A_274 = arith.muli %scan3A_27, %mul3A_273 : i32
      %add3A_275 = arith.constant 9 : i32
      %add3A_276 = arith.addi %mul3A_274, %add3A_275 : i32
      %dma_start3A_277 = arith.constant 0 : i32
      %dma_start3A_278 = tpu.memref_slice %arg10[%add3A_276, %dma_start3A_277] : memref<512x64xf32, #tpu.memory_space<vmem>> -> memref<1x64xf32, #tpu.memory_space<vmem>>
      %dma_start3A_279 = arith.constant 0 : i32
      %dma_start3A_280 = tpu.memref_slice %arg3[%reduce_max3A_272, %dma_start3A_279] : memref<1000000x64xf32, #tpu.memory_space<hbm>> -> memref<1x64xf32, #tpu.memory_space<hbm>>
      %dma_start3A_281 = arith.constant 0 : i32
      %dma_start3A_282 = tpu.memref_slice %arg10[%add3A_276, %dma_start3A_281] : memref<512x64xf32, #tpu.memory_space<vmem>> -> memref<1x64xf32, #tpu.memory_space<vmem>>
      %dma_start3A_283 = arith.constant 0 : i32
      %dma_start3A_284 = tpu.memref_slice %arg3[%reduce_max3A_272, %dma_start3A_283] : memref<1000000x64xf32, #tpu.memory_space<hbm>> -> memref<1x64xf32, #tpu.memory_space<hbm>>
      tpu.enqueue_dma source(%dma_start3A_284 : memref<1x64xf32, #tpu.memory_space<hbm>>) target(%dma_start3A_282 : memref<1x64xf32, #tpu.memory_space<vmem>>) target_semaphore(%arg11 : memref<!tpu.dma_semaphore, #tpu.memory_space<semaphore_mem>>)
      %eq3A_285 = arith.constant 10 : i32
      %eq3A_286 = vector.broadcast %eq3A_285 : i32 to vector<16xi32>
      %eq3A_287 = arith.cmpi eq, %iota3A_14, %eq3A_286 : vector<16xi32>
      %jit3A_288 = arith.constant 0 : i32
      %broadcast_in_dim3A_289 = vector.broadcast %jit3A_288 : i32 to vector<16xi32>
      %select_n3A_290 = arith.select %eq3A_287, %get3A_30, %broadcast_in_dim3A_289 : vector<16xi1>, vector<16xi32>
      %reduce_max3A_291 = arith.constant true
      %reduce_max3A_292 = vector.broadcast %reduce_max3A_291 : i1 to vector<16xi1>
      %reduce_max3A_293 = arith.constant -2147483648 : i32
      %reduce_max3A_294 = vector.broadcast %reduce_max3A_293 : i32 to vector<16xi32>
      %reduce_max3A_295 = arith.xori %select_n3A_290, %reduce_max3A_294 : vector<16xi32>
      %reduce_max3A_296 = tpu.scan <max>, %reduce_max3A_295 masked %reduce_max3A_292 : vector<16xi32>, vector<16xi1> -> vector<16xi32>
      %reduce_max3A_297 = arith.xori %reduce_max3A_296, %reduce_max3A_294 : vector<16xi32>
      %reduce_max3A_298 = vector.extract %reduce_max3A_297[15] : i32 from vector<16xi32>
      %mul3A_299 = arith.constant 16 : i32
      %mul3A_300 = arith.muli %scan3A_27, %mul3A_299 : i32
      %add3A_301 = arith.constant 10 : i32
      %add3A_302 = arith.addi %mul3A_300, %add3A_301 : i32
      %dma_start3A_303 = arith.constant 0 : i32
      %dma_start3A_304 = tpu.memref_slice %arg10[%add3A_302, %dma_start3A_303] : memref<512x64xf32, #tpu.memory_space<vmem>> -> memref<1x64xf32, #tpu.memory_space<vmem>>
      %dma_start3A_305 = arith.constant 0 : i32
      %dma_start3A_306 = tpu.memref_slice %arg3[%reduce_max3A_298, %dma_start3A_305] : memref<1000000x64xf32, #tpu.memory_space<hbm>> -> memref<1x64xf32, #tpu.memory_space<hbm>>
      %dma_start3A_307 = arith.constant 0 : i32
      %dma_start3A_308 = tpu.memref_slice %arg10[%add3A_302, %dma_start3A_307] : memref<512x64xf32, #tpu.memory_space<vmem>> -> memref<1x64xf32, #tpu.memory_space<vmem>>
      %dma_start3A_309 = arith.constant 0 : i32
      %dma_start3A_310 = tpu.memref_slice %arg3[%reduce_max3A_298, %dma_start3A_309] : memref<1000000x64xf32, #tpu.memory_space<hbm>> -> memref<1x64xf32, #tpu.memory_space<hbm>>
      tpu.enqueue_dma source(%dma_start3A_310 : memref<1x64xf32, #tpu.memory_space<hbm>>) target(%dma_start3A_308 : memref<1x64xf32, #tpu.memory_space<vmem>>) target_semaphore(%arg11 : memref<!tpu.dma_semaphore, #tpu.memory_space<semaphore_mem>>)
      %eq3A_311 = arith.constant 11 : i32
      %eq3A_312 = vector.broadcast %eq3A_311 : i32 to vector<16xi32>
      %eq3A_313 = arith.cmpi eq, %iota3A_14, %eq3A_312 : vector<16xi32>
      %jit3A_314 = arith.constant 0 : i32
      %broadcast_in_dim3A_315 = vector.broadcast %jit3A_314 : i32 to vector<16xi32>
      %select_n3A_316 = arith.select %eq3A_313, %get3A_30, %broadcast_in_dim3A_315 : vector<16xi1>, vector<16xi32>
      %reduce_max3A_317 = arith.constant true
      %reduce_max3A_318 = vector.broadcast %reduce_max3A_317 : i1 to vector<16xi1>
      %reduce_max3A_319 = arith.constant -2147483648 : i32
      %reduce_max3A_320 = vector.broadcast %reduce_max3A_319 : i32 to vector<16xi32>
      %reduce_max3A_321 = arith.xori %select_n3A_316, %reduce_max3A_320 : vector<16xi32>
      %reduce_max3A_322 = tpu.scan <max>, %reduce_max3A_321 masked %reduce_max3A_318 : vector<16xi32>, vector<16xi1> -> vector<16xi32>
      %reduce_max3A_323 = arith.xori %reduce_max3A_322, %reduce_max3A_320 : vector<16xi32>
      %reduce_max3A_324 = vector.extract %reduce_max3A_323[15] : i32 from vector<16xi32>
      %mul3A_325 = arith.constant 16 : i32
      %mul3A_326 = arith.muli %scan3A_27, %mul3A_325 : i32
      %add3A_327 = arith.constant 11 : i32
      %add3A_328 = arith.addi %mul3A_326, %add3A_327 : i32
      %dma_start3A_329 = arith.constant 0 : i32
      %dma_start3A_330 = tpu.memref_slice %arg10[%add3A_328, %dma_start3A_329] : memref<512x64xf32, #tpu.memory_space<vmem>> -> memref<1x64xf32, #tpu.memory_space<vmem>>
      %dma_start3A_331 = arith.constant 0 : i32
      %dma_start3A_332 = tpu.memref_slice %arg3[%reduce_max3A_324, %dma_start3A_331] : memref<1000000x64xf32, #tpu.memory_space<hbm>> -> memref<1x64xf32, #tpu.memory_space<hbm>>
      %dma_start3A_333 = arith.constant 0 : i32
      %dma_start3A_334 = tpu.memref_slice %arg10[%add3A_328, %dma_start3A_333] : memref<512x64xf32, #tpu.memory_space<vmem>> -> memref<1x64xf32, #tpu.memory_space<vmem>>
      %dma_start3A_335 = arith.constant 0 : i32
      %dma_start3A_336 = tpu.memref_slice %arg3[%reduce_max3A_324, %dma_start3A_335] : memref<1000000x64xf32, #tpu.memory_space<hbm>> -> memref<1x64xf32, #tpu.memory_space<hbm>>
      tpu.enqueue_dma source(%dma_start3A_336 : memref<1x64xf32, #tpu.memory_space<hbm>>) target(%dma_start3A_334 : memref<1x64xf32, #tpu.memory_space<vmem>>) target_semaphore(%arg11 : memref<!tpu.dma_semaphore, #tpu.memory_space<semaphore_mem>>)
      %eq3A_337 = arith.constant 12 : i32
      %eq3A_338 = vector.broadcast %eq3A_337 : i32 to vector<16xi32>
      %eq3A_339 = arith.cmpi eq, %iota3A_14, %eq3A_338 : vector<16xi32>
      %jit3A_340 = arith.constant 0 : i32
      %broadcast_in_dim3A_341 = vector.broadcast %jit3A_340 : i32 to vector<16xi32>
      %select_n3A_342 = arith.select %eq3A_339, %get3A_30, %broadcast_in_dim3A_341 : vector<16xi1>, vector<16xi32>
      %reduce_max3A_343 = arith.constant true
      %reduce_max3A_344 = vector.broadcast %reduce_max3A_343 : i1 to vector<16xi1>
      %reduce_max3A_345 = arith.constant -2147483648 : i32
      %reduce_max3A_346 = vector.broadcast %reduce_max3A_345 : i32 to vector<16xi32>
      %reduce_max3A_347 = arith.xori %select_n3A_342, %reduce_max3A_346 : vector<16xi32>
      %reduce_max3A_348 = tpu.scan <max>, %reduce_max3A_347 masked %reduce_max3A_344 : vector<16xi32>, vector<16xi1> -> vector<16xi32>
      %reduce_max3A_349 = arith.xori %reduce_max3A_348, %reduce_max3A_346 : vector<16xi32>
      %reduce_max3A_350 = vector.extract %reduce_max3A_349[15] : i32 from vector<16xi32>
      %mul3A_351 = arith.constant 16 : i32
      %mul3A_352 = arith.muli %scan3A_27, %mul3A_351 : i32
      %add3A_353 = arith.constant 12 : i32
      %add3A_354 = arith.addi %mul3A_352, %add3A_353 : i32
      %dma_start3A_355 = arith.constant 0 : i32
      %dma_start3A_356 = tpu.memref_slice %arg10[%add3A_354, %dma_start3A_355] : memref<512x64xf32, #tpu.memory_space<vmem>> -> memref<1x64xf32, #tpu.memory_space<vmem>>
      %dma_start3A_357 = arith.constant 0 : i32
      %dma_start3A_358 = tpu.memref_slice %arg3[%reduce_max3A_350, %dma_start3A_357] : memref<1000000x64xf32, #tpu.memory_space<hbm>> -> memref<1x64xf32, #tpu.memory_space<hbm>>
      %dma_start3A_359 = arith.constant 0 : i32
      %dma_start3A_360 = tpu.memref_slice %arg10[%add3A_354, %dma_start3A_359] : memref<512x64xf32, #tpu.memory_space<vmem>> -> memref<1x64xf32, #tpu.memory_space<vmem>>
      %dma_start3A_361 = arith.constant 0 : i32
      %dma_start3A_362 = tpu.memref_slice %arg3[%reduce_max3A_350, %dma_start3A_361] : memref<1000000x64xf32, #tpu.memory_space<hbm>> -> memref<1x64xf32, #tpu.memory_space<hbm>>
      tpu.enqueue_dma source(%dma_start3A_362 : memref<1x64xf32, #tpu.memory_space<hbm>>) target(%dma_start3A_360 : memref<1x64xf32, #tpu.memory_space<vmem>>) target_semaphore(%arg11 : memref<!tpu.dma_semaphore, #tpu.memory_space<semaphore_mem>>)
      %eq3A_363 = arith.constant 13 : i32
      %eq3A_364 = vector.broadcast %eq3A_363 : i32 to vector<16xi32>
      %eq3A_365 = arith.cmpi eq, %iota3A_14, %eq3A_364 : vector<16xi32>
      %jit3A_366 = arith.constant 0 : i32
      %broadcast_in_dim3A_367 = vector.broadcast %jit3A_366 : i32 to vector<16xi32>
      %select_n3A_368 = arith.select %eq3A_365, %get3A_30, %broadcast_in_dim3A_367 : vector<16xi1>, vector<16xi32>
      %reduce_max3A_369 = arith.constant true
      %reduce_max3A_370 = vector.broadcast %reduce_max3A_369 : i1 to vector<16xi1>
      %reduce_max3A_371 = arith.constant -2147483648 : i32
      %reduce_max3A_372 = vector.broadcast %reduce_max3A_371 : i32 to vector<16xi32>
      %reduce_max3A_373 = arith.xori %select_n3A_368, %reduce_max3A_372 : vector<16xi32>
      %reduce_max3A_374 = tpu.scan <max>, %reduce_max3A_373 masked %reduce_max3A_370 : vector<16xi32>, vector<16xi1> -> vector<16xi32>
      %reduce_max3A_375 = arith.xori %reduce_max3A_374, %reduce_max3A_372 : vector<16xi32>
      %reduce_max3A_376 = vector.extract %reduce_max3A_375[15] : i32 from vector<16xi32>
      %mul3A_377 = arith.constant 16 : i32
      %mul3A_378 = arith.muli %scan3A_27, %mul3A_377 : i32
      %add3A_379 = arith.constant 13 : i32
      %add3A_380 = arith.addi %mul3A_378, %add3A_379 : i32
      %dma_start3A_381 = arith.constant 0 : i32
      %dma_start3A_382 = tpu.memref_slice %arg10[%add3A_380, %dma_start3A_381] : memref<512x64xf32, #tpu.memory_space<vmem>> -> memref<1x64xf32, #tpu.memory_space<vmem>>
      %dma_start3A_383 = arith.constant 0 : i32
      %dma_start3A_384 = tpu.memref_slice %arg3[%reduce_max3A_376, %dma_start3A_383] : memref<1000000x64xf32, #tpu.memory_space<hbm>> -> memref<1x64xf32, #tpu.memory_space<hbm>>
      %dma_start3A_385 = arith.constant 0 : i32
      %dma_start3A_386 = tpu.memref_slice %arg10[%add3A_380, %dma_start3A_385] : memref<512x64xf32, #tpu.memory_space<vmem>> -> memref<1x64xf32, #tpu.memory_space<vmem>>
      %dma_start3A_387 = arith.constant 0 : i32
      %dma_start3A_388 = tpu.memref_slice %arg3[%reduce_max3A_376, %dma_start3A_387] : memref<1000000x64xf32, #tpu.memory_space<hbm>> -> memref<1x64xf32, #tpu.memory_space<hbm>>
      tpu.enqueue_dma source(%dma_start3A_388 : memref<1x64xf32, #tpu.memory_space<hbm>>) target(%dma_start3A_386 : memref<1x64xf32, #tpu.memory_space<vmem>>) target_semaphore(%arg11 : memref<!tpu.dma_semaphore, #tpu.memory_space<semaphore_mem>>)
      %eq3A_389 = arith.constant 14 : i32
      %eq3A_390 = vector.broadcast %eq3A_389 : i32 to vector<16xi32>
      %eq3A_391 = arith.cmpi eq, %iota3A_14, %eq3A_390 : vector<16xi32>
      %jit3A_392 = arith.constant 0 : i32
      %broadcast_in_dim3A_393 = vector.broadcast %jit3A_392 : i32 to vector<16xi32>
      %select_n3A_394 = arith.select %eq3A_391, %get3A_30, %broadcast_in_dim3A_393 : vector<16xi1>, vector<16xi32>
      %reduce_max3A_395 = arith.constant true
      %reduce_max3A_396 = vector.broadcast %reduce_max3A_395 : i1 to vector<16xi1>
      %reduce_max3A_397 = arith.constant -2147483648 : i32
      %reduce_max3A_398 = vector.broadcast %reduce_max3A_397 : i32 to vector<16xi32>
      %reduce_max3A_399 = arith.xori %select_n3A_394, %reduce_max3A_398 : vector<16xi32>
      %reduce_max3A_400 = tpu.scan <max>, %reduce_max3A_399 masked %reduce_max3A_396 : vector<16xi32>, vector<16xi1> -> vector<16xi32>
      %reduce_max3A_401 = arith.xori %reduce_max3A_400, %reduce_max3A_398 : vector<16xi32>
      %reduce_max3A_402 = vector.extract %reduce_max3A_401[15] : i32 from vector<16xi32>
      %mul3A_403 = arith.constant 16 : i32
      %mul3A_404 = arith.muli %scan3A_27, %mul3A_403 : i32
      %add3A_405 = arith.constant 14 : i32
      %add3A_406 = arith.addi %mul3A_404, %add3A_405 : i32
      %dma_start3A_407 = arith.constant 0 : i32
      %dma_start3A_408 = tpu.memref_slice %arg10[%add3A_406, %dma_start3A_407] : memref<512x64xf32, #tpu.memory_space<vmem>> -> memref<1x64xf32, #tpu.memory_space<vmem>>
      %dma_start3A_409 = arith.constant 0 : i32
      %dma_start3A_410 = tpu.memref_slice %arg3[%reduce_max3A_402, %dma_start3A_409] : memref<1000000x64xf32, #tpu.memory_space<hbm>> -> memref<1x64xf32, #tpu.memory_space<hbm>>
      %dma_start3A_411 = arith.constant 0 : i32
      %dma_start3A_412 = tpu.memref_slice %arg10[%add3A_406, %dma_start3A_411] : memref<512x64xf32, #tpu.memory_space<vmem>> -> memref<1x64xf32, #tpu.memory_space<vmem>>
      %dma_start3A_413 = arith.constant 0 : i32
      %dma_start3A_414 = tpu.memref_slice %arg3[%reduce_max3A_402, %dma_start3A_413] : memref<1000000x64xf32, #tpu.memory_space<hbm>> -> memref<1x64xf32, #tpu.memory_space<hbm>>
      tpu.enqueue_dma source(%dma_start3A_414 : memref<1x64xf32, #tpu.memory_space<hbm>>) target(%dma_start3A_412 : memref<1x64xf32, #tpu.memory_space<vmem>>) target_semaphore(%arg11 : memref<!tpu.dma_semaphore, #tpu.memory_space<semaphore_mem>>)
      %eq3A_415 = arith.constant 15 : i32
      %eq3A_416 = vector.broadcast %eq3A_415 : i32 to vector<16xi32>
      %eq3A_417 = arith.cmpi eq, %iota3A_14, %eq3A_416 : vector<16xi32>
      %jit3A_418 = arith.constant 0 : i32
      %broadcast_in_dim3A_419 = vector.broadcast %jit3A_418 : i32 to vector<16xi32>
      %select_n3A_420 = arith.select %eq3A_417, %get3A_30, %broadcast_in_dim3A_419 : vector<16xi1>, vector<16xi32>
      %reduce_max3A_421 = arith.constant true
      %reduce_max3A_422 = vector.broadcast %reduce_max3A_421 : i1 to vector<16xi1>
      %reduce_max3A_423 = arith.constant -2147483648 : i32
      %reduce_max3A_424 = vector.broadcast %reduce_max3A_423 : i32 to vector<16xi32>
      %reduce_max3A_425 = arith.xori %select_n3A_420, %reduce_max3A_424 : vector<16xi32>
      %reduce_max3A_426 = tpu.scan <max>, %reduce_max3A_425 masked %reduce_max3A_422 : vector<16xi32>, vector<16xi1> -> vector<16xi32>
      %reduce_max3A_427 = arith.xori %reduce_max3A_426, %reduce_max3A_424 : vector<16xi32>
      %reduce_max3A_428 = vector.extract %reduce_max3A_427[15] : i32 from vector<16xi32>
      %mul3A_429 = arith.constant 16 : i32
      %mul3A_430 = arith.muli %scan3A_27, %mul3A_429 : i32
      %add3A_431 = arith.constant 15 : i32
      %add3A_432 = arith.addi %mul3A_430, %add3A_431 : i32
      %dma_start3A_433 = arith.constant 0 : i32
      %dma_start3A_434 = tpu.memref_slice %arg10[%add3A_432, %dma_start3A_433] : memref<512x64xf32, #tpu.memory_space<vmem>> -> memref<1x64xf32, #tpu.memory_space<vmem>>
      %dma_start3A_435 = arith.constant 0 : i32
      %dma_start3A_436 = tpu.memref_slice %arg3[%reduce_max3A_428, %dma_start3A_435] : memref<1000000x64xf32, #tpu.memory_space<hbm>> -> memref<1x64xf32, #tpu.memory_space<hbm>>
      %dma_start3A_437 = arith.constant 0 : i32
      %dma_start3A_438 = tpu.memref_slice %arg10[%add3A_432, %dma_start3A_437] : memref<512x64xf32, #tpu.memory_space<vmem>> -> memref<1x64xf32, #tpu.memory_space<vmem>>
      %dma_start3A_439 = arith.constant 0 : i32
      %dma_start3A_440 = tpu.memref_slice %arg3[%reduce_max3A_428, %dma_start3A_439] : memref<1000000x64xf32, #tpu.memory_space<hbm>> -> memref<1x64xf32, #tpu.memory_space<hbm>>
      tpu.enqueue_dma source(%dma_start3A_440 : memref<1x64xf32, #tpu.memory_space<hbm>>) target(%dma_start3A_438 : memref<1x64xf32, #tpu.memory_space<vmem>>) target_semaphore(%arg11 : memref<!tpu.dma_semaphore, #tpu.memory_space<semaphore_mem>>)
    }
    %scan3A_20 = arith.constant 32 : i32
    %scan3A_21 = arith.constant 0 : i32
    %scan3A_22 = arith.constant 0 : i32
    %scan3A_23 = arith.constant 32 : i32
    %scan3A_24 = arith.addi %scan3A_22, %scan3A_23 : i32
    %scan3A_25 = arith.constant 1 : i32
    scf.for %scan3A_27 = %scan3A_22 to %scan3A_24 step %scan3A_25  : i32 {
      %mul3A_28 = arith.constant 16 : i32
      %mul3A_29 = arith.muli %scan3A_27, %mul3A_28 : i32
      %add3A_30 = arith.constant 0 : i32
      %add3A_31 = arith.addi %mul3A_29, %add3A_30 : i32
      %dma_wait3A = arith.constant 0 : i32
      %dma_wait3A_32 = tpu.memref_slice %arg10[%add3A_31, %dma_wait3A] : memref<512x64xf32, #tpu.memory_space<vmem>> -> memref<1x64xf32, #tpu.memory_space<vmem>>
      %dma_wait3A_33 = arith.constant 0 : i32
      %dma_wait3A_34 = arith.constant 0 : i32
      %dma_wait3A_35 = tpu.memref_slice %arg3[%dma_wait3A_33, %dma_wait3A_34] : memref<1000000x64xf32, #tpu.memory_space<hbm>> -> memref<1x64xf32, #tpu.memory_space<hbm>>
      %dma_wait3A_36 = arith.constant 0 : i32
      %dma_wait3A_37 = tpu.memref_slice %arg10[%add3A_31, %dma_wait3A_36] : memref<512x64xf32, #tpu.memory_space<vmem>> -> memref<1x64xf32, #tpu.memory_space<vmem>>
      %dma_wait3A_38 = arith.constant 0 : i32
      %dma_wait3A_39 = arith.constant 0 : i32
      %dma_wait3A_40 = tpu.memref_slice %arg3[%dma_wait3A_38, %dma_wait3A_39] : memref<1000000x64xf32, #tpu.memory_space<hbm>> -> memref<1x64xf32, #tpu.memory_space<hbm>>
      tpu.wait_dma2 semaphore(%arg11 : memref<!tpu.dma_semaphore, #tpu.memory_space<semaphore_mem>>) src(%dma_wait3A_40 : memref<1x64xf32, #tpu.memory_space<hbm>>) dst(%dma_wait3A_37 : memref<1x64xf32, #tpu.memory_space<vmem>>)
      %mul3A_41 = arith.constant 16 : i32
      %mul3A_42 = arith.muli %scan3A_27, %mul3A_41 : i32
      %add3A_43 = arith.constant 1 : i32
      %add3A_44 = arith.addi %mul3A_42, %add3A_43 : i32
      %dma_wait3A_45 = arith.constant 0 : i32
      %dma_wait3A_46 = tpu.memref_slice %arg10[%add3A_44, %dma_wait3A_45] : memref<512x64xf32, #tpu.memory_space<vmem>> -> memref<1x64xf32, #tpu.memory_space<vmem>>
      %dma_wait3A_47 = arith.constant 0 : i32
      %dma_wait3A_48 = arith.constant 0 : i32
      %dma_wait3A_49 = tpu.memref_slice %arg3[%dma_wait3A_47, %dma_wait3A_48] : memref<1000000x64xf32, #tpu.memory_space<hbm>> -> memref<1x64xf32, #tpu.memory_space<hbm>>
      %dma_wait3A_50 = arith.constant 0 : i32
      %dma_wait3A_51 = tpu.memref_slice %arg10[%add3A_44, %dma_wait3A_50] : memref<512x64xf32, #tpu.memory_space<vmem>> -> memref<1x64xf32, #tpu.memory_space<vmem>>
      %dma_wait3A_52 = arith.constant 0 : i32
      %dma_wait3A_53 = arith.constant 0 : i32
      %dma_wait3A_54 = tpu.memref_slice %arg3[%dma_wait3A_52, %dma_wait3A_53] : memref<1000000x64xf32, #tpu.memory_space<hbm>> -> memref<1x64xf32, #tpu.memory_space<hbm>>
      tpu.wait_dma2 semaphore(%arg11 : memref<!tpu.dma_semaphore, #tpu.memory_space<semaphore_mem>>) src(%dma_wait3A_54 : memref<1x64xf32, #tpu.memory_space<hbm>>) dst(%dma_wait3A_51 : memref<1x64xf32, #tpu.memory_space<vmem>>)
      %mul3A_55 = arith.constant 16 : i32
      %mul3A_56 = arith.muli %scan3A_27, %mul3A_55 : i32
      %add3A_57 = arith.constant 2 : i32
      %add3A_58 = arith.addi %mul3A_56, %add3A_57 : i32
      %dma_wait3A_59 = arith.constant 0 : i32
      %dma_wait3A_60 = tpu.memref_slice %arg10[%add3A_58, %dma_wait3A_59] : memref<512x64xf32, #tpu.memory_space<vmem>> -> memref<1x64xf32, #tpu.memory_space<vmem>>
      %dma_wait3A_61 = arith.constant 0 : i32
      %dma_wait3A_62 = arith.constant 0 : i32
      %dma_wait3A_63 = tpu.memref_slice %arg3[%dma_wait3A_61, %dma_wait3A_62] : memref<1000000x64xf32, #tpu.memory_space<hbm>> -> memref<1x64xf32, #tpu.memory_space<hbm>>
      %dma_wait3A_64 = arith.constant 0 : i32
      %dma_wait3A_65 = tpu.memref_slice %arg10[%add3A_58, %dma_wait3A_64] : memref<512x64xf32, #tpu.memory_space<vmem>> -> memref<1x64xf32, #tpu.memory_space<vmem>>
      %dma_wait3A_66 = arith.constant 0 : i32
      %dma_wait3A_67 = arith.constant 0 : i32
      %dma_wait3A_68 = tpu.memref_slice %arg3[%dma_wait3A_66, %dma_wait3A_67] : memref<1000000x64xf32, #tpu.memory_space<hbm>> -> memref<1x64xf32, #tpu.memory_space<hbm>>
      tpu.wait_dma2 semaphore(%arg11 : memref<!tpu.dma_semaphore, #tpu.memory_space<semaphore_mem>>) src(%dma_wait3A_68 : memref<1x64xf32, #tpu.memory_space<hbm>>) dst(%dma_wait3A_65 : memref<1x64xf32, #tpu.memory_space<vmem>>)
      %mul3A_69 = arith.constant 16 : i32
      %mul3A_70 = arith.muli %scan3A_27, %mul3A_69 : i32
      %add3A_71 = arith.constant 3 : i32
      %add3A_72 = arith.addi %mul3A_70, %add3A_71 : i32
      %dma_wait3A_73 = arith.constant 0 : i32
      %dma_wait3A_74 = tpu.memref_slice %arg10[%add3A_72, %dma_wait3A_73] : memref<512x64xf32, #tpu.memory_space<vmem>> -> memref<1x64xf32, #tpu.memory_space<vmem>>
      %dma_wait3A_75 = arith.constant 0 : i32
      %dma_wait3A_76 = arith.constant 0 : i32
      %dma_wait3A_77 = tpu.memref_slice %arg3[%dma_wait3A_75, %dma_wait3A_76] : memref<1000000x64xf32, #tpu.memory_space<hbm>> -> memref<1x64xf32, #tpu.memory_space<hbm>>
      %dma_wait3A_78 = arith.constant 0 : i32
      %dma_wait3A_79 = tpu.memref_slice %arg10[%add3A_72, %dma_wait3A_78] : memref<512x64xf32, #tpu.memory_space<vmem>> -> memref<1x64xf32, #tpu.memory_space<vmem>>
      %dma_wait3A_80 = arith.constant 0 : i32
      %dma_wait3A_81 = arith.constant 0 : i32
      %dma_wait3A_82 = tpu.memref_slice %arg3[%dma_wait3A_80, %dma_wait3A_81] : memref<1000000x64xf32, #tpu.memory_space<hbm>> -> memref<1x64xf32, #tpu.memory_space<hbm>>
      tpu.wait_dma2 semaphore(%arg11 : memref<!tpu.dma_semaphore, #tpu.memory_space<semaphore_mem>>) src(%dma_wait3A_82 : memref<1x64xf32, #tpu.memory_space<hbm>>) dst(%dma_wait3A_79 : memref<1x64xf32, #tpu.memory_space<vmem>>)
      %mul3A_83 = arith.constant 16 : i32
      %mul3A_84 = arith.muli %scan3A_27, %mul3A_83 : i32
      %add3A_85 = arith.constant 4 : i32
      %add3A_86 = arith.addi %mul3A_84, %add3A_85 : i32
      %dma_wait3A_87 = arith.constant 0 : i32
      %dma_wait3A_88 = tpu.memref_slice %arg10[%add3A_86, %dma_wait3A_87] : memref<512x64xf32, #tpu.memory_space<vmem>> -> memref<1x64xf32, #tpu.memory_space<vmem>>
      %dma_wait3A_89 = arith.constant 0 : i32
      %dma_wait3A_90 = arith.constant 0 : i32
      %dma_wait3A_91 = tpu.memref_slice %arg3[%dma_wait3A_89, %dma_wait3A_90] : memref<1000000x64xf32, #tpu.memory_space<hbm>> -> memref<1x64xf32, #tpu.memory_space<hbm>>
      %dma_wait3A_92 = arith.constant 0 : i32
      %dma_wait3A_93 = tpu.memref_slice %arg10[%add3A_86, %dma_wait3A_92] : memref<512x64xf32, #tpu.memory_space<vmem>> -> memref<1x64xf32, #tpu.memory_space<vmem>>
      %dma_wait3A_94 = arith.constant 0 : i32
      %dma_wait3A_95 = arith.constant 0 : i32
      %dma_wait3A_96 = tpu.memref_slice %arg3[%dma_wait3A_94, %dma_wait3A_95] : memref<1000000x64xf32, #tpu.memory_space<hbm>> -> memref<1x64xf32, #tpu.memory_space<hbm>>
      tpu.wait_dma2 semaphore(%arg11 : memref<!tpu.dma_semaphore, #tpu.memory_space<semaphore_mem>>) src(%dma_wait3A_96 : memref<1x64xf32, #tpu.memory_space<hbm>>) dst(%dma_wait3A_93 : memref<1x64xf32, #tpu.memory_space<vmem>>)
      %mul3A_97 = arith.constant 16 : i32
      %mul3A_98 = arith.muli %scan3A_27, %mul3A_97 : i32
      %add3A_99 = arith.constant 5 : i32
      %add3A_100 = arith.addi %mul3A_98, %add3A_99 : i32
      %dma_wait3A_101 = arith.constant 0 : i32
      %dma_wait3A_102 = tpu.memref_slice %arg10[%add3A_100, %dma_wait3A_101] : memref<512x64xf32, #tpu.memory_space<vmem>> -> memref<1x64xf32, #tpu.memory_space<vmem>>
      %dma_wait3A_103 = arith.constant 0 : i32
      %dma_wait3A_104 = arith.constant 0 : i32
      %dma_wait3A_105 = tpu.memref_slice %arg3[%dma_wait3A_103, %dma_wait3A_104] : memref<1000000x64xf32, #tpu.memory_space<hbm>> -> memref<1x64xf32, #tpu.memory_space<hbm>>
      %dma_wait3A_106 = arith.constant 0 : i32
      %dma_wait3A_107 = tpu.memref_slice %arg10[%add3A_100, %dma_wait3A_106] : memref<512x64xf32, #tpu.memory_space<vmem>> -> memref<1x64xf32, #tpu.memory_space<vmem>>
      %dma_wait3A_108 = arith.constant 0 : i32
      %dma_wait3A_109 = arith.constant 0 : i32
      %dma_wait3A_110 = tpu.memref_slice %arg3[%dma_wait3A_108, %dma_wait3A_109] : memref<1000000x64xf32, #tpu.memory_space<hbm>> -> memref<1x64xf32, #tpu.memory_space<hbm>>
      tpu.wait_dma2 semaphore(%arg11 : memref<!tpu.dma_semaphore, #tpu.memory_space<semaphore_mem>>) src(%dma_wait3A_110 : memref<1x64xf32, #tpu.memory_space<hbm>>) dst(%dma_wait3A_107 : memref<1x64xf32, #tpu.memory_space<vmem>>)
      %mul3A_111 = arith.constant 16 : i32
      %mul3A_112 = arith.muli %scan3A_27, %mul3A_111 : i32
      %add3A_113 = arith.constant 6 : i32
      %add3A_114 = arith.addi %mul3A_112, %add3A_113 : i32
      %dma_wait3A_115 = arith.constant 0 : i32
      %dma_wait3A_116 = tpu.memref_slice %arg10[%add3A_114, %dma_wait3A_115] : memref<512x64xf32, #tpu.memory_space<vmem>> -> memref<1x64xf32, #tpu.memory_space<vmem>>
      %dma_wait3A_117 = arith.constant 0 : i32
      %dma_wait3A_118 = arith.constant 0 : i32
      %dma_wait3A_119 = tpu.memref_slice %arg3[%dma_wait3A_117, %dma_wait3A_118] : memref<1000000x64xf32, #tpu.memory_space<hbm>> -> memref<1x64xf32, #tpu.memory_space<hbm>>
      %dma_wait3A_120 = arith.constant 0 : i32
      %dma_wait3A_121 = tpu.memref_slice %arg10[%add3A_114, %dma_wait3A_120] : memref<512x64xf32, #tpu.memory_space<vmem>> -> memref<1x64xf32, #tpu.memory_space<vmem>>
      %dma_wait3A_122 = arith.constant 0 : i32
      %dma_wait3A_123 = arith.constant 0 : i32
      %dma_wait3A_124 = tpu.memref_slice %arg3[%dma_wait3A_122, %dma_wait3A_123] : memref<1000000x64xf32, #tpu.memory_space<hbm>> -> memref<1x64xf32, #tpu.memory_space<hbm>>
      tpu.wait_dma2 semaphore(%arg11 : memref<!tpu.dma_semaphore, #tpu.memory_space<semaphore_mem>>) src(%dma_wait3A_124 : memref<1x64xf32, #tpu.memory_space<hbm>>) dst(%dma_wait3A_121 : memref<1x64xf32, #tpu.memory_space<vmem>>)
      %mul3A_125 = arith.constant 16 : i32
      %mul3A_126 = arith.muli %scan3A_27, %mul3A_125 : i32
      %add3A_127 = arith.constant 7 : i32
      %add3A_128 = arith.addi %mul3A_126, %add3A_127 : i32
      %dma_wait3A_129 = arith.constant 0 : i32
      %dma_wait3A_130 = tpu.memref_slice %arg10[%add3A_128, %dma_wait3A_129] : memref<512x64xf32, #tpu.memory_space<vmem>> -> memref<1x64xf32, #tpu.memory_space<vmem>>
      %dma_wait3A_131 = arith.constant 0 : i32
      %dma_wait3A_132 = arith.constant 0 : i32
      %dma_wait3A_133 = tpu.memref_slice %arg3[%dma_wait3A_131, %dma_wait3A_132] : memref<1000000x64xf32, #tpu.memory_space<hbm>> -> memref<1x64xf32, #tpu.memory_space<hbm>>
      %dma_wait3A_134 = arith.constant 0 : i32
      %dma_wait3A_135 = tpu.memref_slice %arg10[%add3A_128, %dma_wait3A_134] : memref<512x64xf32, #tpu.memory_space<vmem>> -> memref<1x64xf32, #tpu.memory_space<vmem>>
      %dma_wait3A_136 = arith.constant 0 : i32
      %dma_wait3A_137 = arith.constant 0 : i32
      %dma_wait3A_138 = tpu.memref_slice %arg3[%dma_wait3A_136, %dma_wait3A_137] : memref<1000000x64xf32, #tpu.memory_space<hbm>> -> memref<1x64xf32, #tpu.memory_space<hbm>>
      tpu.wait_dma2 semaphore(%arg11 : memref<!tpu.dma_semaphore, #tpu.memory_space<semaphore_mem>>) src(%dma_wait3A_138 : memref<1x64xf32, #tpu.memory_space<hbm>>) dst(%dma_wait3A_135 : memref<1x64xf32, #tpu.memory_space<vmem>>)
      %mul3A_139 = arith.constant 16 : i32
      %mul3A_140 = arith.muli %scan3A_27, %mul3A_139 : i32
      %add3A_141 = arith.constant 8 : i32
      %add3A_142 = arith.addi %mul3A_140, %add3A_141 : i32
      %dma_wait3A_143 = arith.constant 0 : i32
      %dma_wait3A_144 = tpu.memref_slice %arg10[%add3A_142, %dma_wait3A_143] : memref<512x64xf32, #tpu.memory_space<vmem>> -> memref<1x64xf32, #tpu.memory_space<vmem>>
      %dma_wait3A_145 = arith.constant 0 : i32
      %dma_wait3A_146 = arith.constant 0 : i32
      %dma_wait3A_147 = tpu.memref_slice %arg3[%dma_wait3A_145, %dma_wait3A_146] : memref<1000000x64xf32, #tpu.memory_space<hbm>> -> memref<1x64xf32, #tpu.memory_space<hbm>>
      %dma_wait3A_148 = arith.constant 0 : i32
      %dma_wait3A_149 = tpu.memref_slice %arg10[%add3A_142, %dma_wait3A_148] : memref<512x64xf32, #tpu.memory_space<vmem>> -> memref<1x64xf32, #tpu.memory_space<vmem>>
      %dma_wait3A_150 = arith.constant 0 : i32
      %dma_wait3A_151 = arith.constant 0 : i32
      %dma_wait3A_152 = tpu.memref_slice %arg3[%dma_wait3A_150, %dma_wait3A_151] : memref<1000000x64xf32, #tpu.memory_space<hbm>> -> memref<1x64xf32, #tpu.memory_space<hbm>>
      tpu.wait_dma2 semaphore(%arg11 : memref<!tpu.dma_semaphore, #tpu.memory_space<semaphore_mem>>) src(%dma_wait3A_152 : memref<1x64xf32, #tpu.memory_space<hbm>>) dst(%dma_wait3A_149 : memref<1x64xf32, #tpu.memory_space<vmem>>)
      %mul3A_153 = arith.constant 16 : i32
      %mul3A_154 = arith.muli %scan3A_27, %mul3A_153 : i32
      %add3A_155 = arith.constant 9 : i32
      %add3A_156 = arith.addi %mul3A_154, %add3A_155 : i32
      %dma_wait3A_157 = arith.constant 0 : i32
      %dma_wait3A_158 = tpu.memref_slice %arg10[%add3A_156, %dma_wait3A_157] : memref<512x64xf32, #tpu.memory_space<vmem>> -> memref<1x64xf32, #tpu.memory_space<vmem>>
      %dma_wait3A_159 = arith.constant 0 : i32
      %dma_wait3A_160 = arith.constant 0 : i32
      %dma_wait3A_161 = tpu.memref_slice %arg3[%dma_wait3A_159, %dma_wait3A_160] : memref<1000000x64xf32, #tpu.memory_space<hbm>> -> memref<1x64xf32, #tpu.memory_space<hbm>>
      %dma_wait3A_162 = arith.constant 0 : i32
      %dma_wait3A_163 = tpu.memref_slice %arg10[%add3A_156, %dma_wait3A_162] : memref<512x64xf32, #tpu.memory_space<vmem>> -> memref<1x64xf32, #tpu.memory_space<vmem>>
      %dma_wait3A_164 = arith.constant 0 : i32
      %dma_wait3A_165 = arith.constant 0 : i32
      %dma_wait3A_166 = tpu.memref_slice %arg3[%dma_wait3A_164, %dma_wait3A_165] : memref<1000000x64xf32, #tpu.memory_space<hbm>> -> memref<1x64xf32, #tpu.memory_space<hbm>>
      tpu.wait_dma2 semaphore(%arg11 : memref<!tpu.dma_semaphore, #tpu.memory_space<semaphore_mem>>) src(%dma_wait3A_166 : memref<1x64xf32, #tpu.memory_space<hbm>>) dst(%dma_wait3A_163 : memref<1x64xf32, #tpu.memory_space<vmem>>)
      %mul3A_167 = arith.constant 16 : i32
      %mul3A_168 = arith.muli %scan3A_27, %mul3A_167 : i32
      %add3A_169 = arith.constant 10 : i32
      %add3A_170 = arith.addi %mul3A_168, %add3A_169 : i32
      %dma_wait3A_171 = arith.constant 0 : i32
      %dma_wait3A_172 = tpu.memref_slice %arg10[%add3A_170, %dma_wait3A_171] : memref<512x64xf32, #tpu.memory_space<vmem>> -> memref<1x64xf32, #tpu.memory_space<vmem>>
      %dma_wait3A_173 = arith.constant 0 : i32
      %dma_wait3A_174 = arith.constant 0 : i32
      %dma_wait3A_175 = tpu.memref_slice %arg3[%dma_wait3A_173, %dma_wait3A_174] : memref<1000000x64xf32, #tpu.memory_space<hbm>> -> memref<1x64xf32, #tpu.memory_space<hbm>>
      %dma_wait3A_176 = arith.constant 0 : i32
      %dma_wait3A_177 = tpu.memref_slice %arg10[%add3A_170, %dma_wait3A_176] : memref<512x64xf32, #tpu.memory_space<vmem>> -> memref<1x64xf32, #tpu.memory_space<vmem>>
      %dma_wait3A_178 = arith.constant 0 : i32
      %dma_wait3A_179 = arith.constant 0 : i32
      %dma_wait3A_180 = tpu.memref_slice %arg3[%dma_wait3A_178, %dma_wait3A_179] : memref<1000000x64xf32, #tpu.memory_space<hbm>> -> memref<1x64xf32, #tpu.memory_space<hbm>>
      tpu.wait_dma2 semaphore(%arg11 : memref<!tpu.dma_semaphore, #tpu.memory_space<semaphore_mem>>) src(%dma_wait3A_180 : memref<1x64xf32, #tpu.memory_space<hbm>>) dst(%dma_wait3A_177 : memref<1x64xf32, #tpu.memory_space<vmem>>)
      %mul3A_181 = arith.constant 16 : i32
      %mul3A_182 = arith.muli %scan3A_27, %mul3A_181 : i32
      %add3A_183 = arith.constant 11 : i32
      %add3A_184 = arith.addi %mul3A_182, %add3A_183 : i32
      %dma_wait3A_185 = arith.constant 0 : i32
      %dma_wait3A_186 = tpu.memref_slice %arg10[%add3A_184, %dma_wait3A_185] : memref<512x64xf32, #tpu.memory_space<vmem>> -> memref<1x64xf32, #tpu.memory_space<vmem>>
      %dma_wait3A_187 = arith.constant 0 : i32
      %dma_wait3A_188 = arith.constant 0 : i32
      %dma_wait3A_189 = tpu.memref_slice %arg3[%dma_wait3A_187, %dma_wait3A_188] : memref<1000000x64xf32, #tpu.memory_space<hbm>> -> memref<1x64xf32, #tpu.memory_space<hbm>>
      %dma_wait3A_190 = arith.constant 0 : i32
      %dma_wait3A_191 = tpu.memref_slice %arg10[%add3A_184, %dma_wait3A_190] : memref<512x64xf32, #tpu.memory_space<vmem>> -> memref<1x64xf32, #tpu.memory_space<vmem>>
      %dma_wait3A_192 = arith.constant 0 : i32
      %dma_wait3A_193 = arith.constant 0 : i32
      %dma_wait3A_194 = tpu.memref_slice %arg3[%dma_wait3A_192, %dma_wait3A_193] : memref<1000000x64xf32, #tpu.memory_space<hbm>> -> memref<1x64xf32, #tpu.memory_space<hbm>>
      tpu.wait_dma2 semaphore(%arg11 : memref<!tpu.dma_semaphore, #tpu.memory_space<semaphore_mem>>) src(%dma_wait3A_194 : memref<1x64xf32, #tpu.memory_space<hbm>>) dst(%dma_wait3A_191 : memref<1x64xf32, #tpu.memory_space<vmem>>)
      %mul3A_195 = arith.constant 16 : i32
      %mul3A_196 = arith.muli %scan3A_27, %mul3A_195 : i32
      %add3A_197 = arith.constant 12 : i32
      %add3A_198 = arith.addi %mul3A_196, %add3A_197 : i32
      %dma_wait3A_199 = arith.constant 0 : i32
      %dma_wait3A_200 = tpu.memref_slice %arg10[%add3A_198, %dma_wait3A_199] : memref<512x64xf32, #tpu.memory_space<vmem>> -> memref<1x64xf32, #tpu.memory_space<vmem>>
      %dma_wait3A_201 = arith.constant 0 : i32
      %dma_wait3A_202 = arith.constant 0 : i32
      %dma_wait3A_203 = tpu.memref_slice %arg3[%dma_wait3A_201, %dma_wait3A_202] : memref<1000000x64xf32, #tpu.memory_space<hbm>> -> memref<1x64xf32, #tpu.memory_space<hbm>>
      %dma_wait3A_204 = arith.constant 0 : i32
      %dma_wait3A_205 = tpu.memref_slice %arg10[%add3A_198, %dma_wait3A_204] : memref<512x64xf32, #tpu.memory_space<vmem>> -> memref<1x64xf32, #tpu.memory_space<vmem>>
      %dma_wait3A_206 = arith.constant 0 : i32
      %dma_wait3A_207 = arith.constant 0 : i32
      %dma_wait3A_208 = tpu.memref_slice %arg3[%dma_wait3A_206, %dma_wait3A_207] : memref<1000000x64xf32, #tpu.memory_space<hbm>> -> memref<1x64xf32, #tpu.memory_space<hbm>>
      tpu.wait_dma2 semaphore(%arg11 : memref<!tpu.dma_semaphore, #tpu.memory_space<semaphore_mem>>) src(%dma_wait3A_208 : memref<1x64xf32, #tpu.memory_space<hbm>>) dst(%dma_wait3A_205 : memref<1x64xf32, #tpu.memory_space<vmem>>)
      %mul3A_209 = arith.constant 16 : i32
      %mul3A_210 = arith.muli %scan3A_27, %mul3A_209 : i32
      %add3A_211 = arith.constant 13 : i32
      %add3A_212 = arith.addi %mul3A_210, %add3A_211 : i32
      %dma_wait3A_213 = arith.constant 0 : i32
      %dma_wait3A_214 = tpu.memref_slice %arg10[%add3A_212, %dma_wait3A_213] : memref<512x64xf32, #tpu.memory_space<vmem>> -> memref<1x64xf32, #tpu.memory_space<vmem>>
      %dma_wait3A_215 = arith.constant 0 : i32
      %dma_wait3A_216 = arith.constant 0 : i32
      %dma_wait3A_217 = tpu.memref_slice %arg3[%dma_wait3A_215, %dma_wait3A_216] : memref<1000000x64xf32, #tpu.memory_space<hbm>> -> memref<1x64xf32, #tpu.memory_space<hbm>>
      %dma_wait3A_218 = arith.constant 0 : i32
      %dma_wait3A_219 = tpu.memref_slice %arg10[%add3A_212, %dma_wait3A_218] : memref<512x64xf32, #tpu.memory_space<vmem>> -> memref<1x64xf32, #tpu.memory_space<vmem>>
      %dma_wait3A_220 = arith.constant 0 : i32
      %dma_wait3A_221 = arith.constant 0 : i32
      %dma_wait3A_222 = tpu.memref_slice %arg3[%dma_wait3A_220, %dma_wait3A_221] : memref<1000000x64xf32, #tpu.memory_space<hbm>> -> memref<1x64xf32, #tpu.memory_space<hbm>>
      tpu.wait_dma2 semaphore(%arg11 : memref<!tpu.dma_semaphore, #tpu.memory_space<semaphore_mem>>) src(%dma_wait3A_222 : memref<1x64xf32, #tpu.memory_space<hbm>>) dst(%dma_wait3A_219 : memref<1x64xf32, #tpu.memory_space<vmem>>)
      %mul3A_223 = arith.constant 16 : i32
      %mul3A_224 = arith.muli %scan3A_27, %mul3A_223 : i32
      %add3A_225 = arith.constant 14 : i32
      %add3A_226 = arith.addi %mul3A_224, %add3A_225 : i32
      %dma_wait3A_227 = arith.constant 0 : i32
      %dma_wait3A_228 = tpu.memref_slice %arg10[%add3A_226, %dma_wait3A_227] : memref<512x64xf32, #tpu.memory_space<vmem>> -> memref<1x64xf32, #tpu.memory_space<vmem>>
      %dma_wait3A_229 = arith.constant 0 : i32
      %dma_wait3A_230 = arith.constant 0 : i32
      %dma_wait3A_231 = tpu.memref_slice %arg3[%dma_wait3A_229, %dma_wait3A_230] : memref<1000000x64xf32, #tpu.memory_space<hbm>> -> memref<1x64xf32, #tpu.memory_space<hbm>>
      %dma_wait3A_232 = arith.constant 0 : i32
      %dma_wait3A_233 = tpu.memref_slice %arg10[%add3A_226, %dma_wait3A_232] : memref<512x64xf32, #tpu.memory_space<vmem>> -> memref<1x64xf32, #tpu.memory_space<vmem>>
      %dma_wait3A_234 = arith.constant 0 : i32
      %dma_wait3A_235 = arith.constant 0 : i32
      %dma_wait3A_236 = tpu.memref_slice %arg3[%dma_wait3A_234, %dma_wait3A_235] : memref<1000000x64xf32, #tpu.memory_space<hbm>> -> memref<1x64xf32, #tpu.memory_space<hbm>>
      tpu.wait_dma2 semaphore(%arg11 : memref<!tpu.dma_semaphore, #tpu.memory_space<semaphore_mem>>) src(%dma_wait3A_236 : memref<1x64xf32, #tpu.memory_space<hbm>>) dst(%dma_wait3A_233 : memref<1x64xf32, #tpu.memory_space<vmem>>)
      %mul3A_237 = arith.constant 16 : i32
      %mul3A_238 = arith.muli %scan3A_27, %mul3A_237 : i32
      %add3A_239 = arith.constant 15 : i32
      %add3A_240 = arith.addi %mul3A_238, %add3A_239 : i32
      %dma_wait3A_241 = arith.constant 0 : i32
      %dma_wait3A_242 = tpu.memref_slice %arg10[%add3A_240, %dma_wait3A_241] : memref<512x64xf32, #tpu.memory_space<vmem>> -> memref<1x64xf32, #tpu.memory_space<vmem>>
      %dma_wait3A_243 = arith.constant 0 : i32
      %dma_wait3A_244 = arith.constant 0 : i32
      %dma_wait3A_245 = tpu.memref_slice %arg3[%dma_wait3A_243, %dma_wait3A_244] : memref<1000000x64xf32, #tpu.memory_space<hbm>> -> memref<1x64xf32, #tpu.memory_space<hbm>>
      %dma_wait3A_246 = arith.constant 0 : i32
      %dma_wait3A_247 = tpu.memref_slice %arg10[%add3A_240, %dma_wait3A_246] : memref<512x64xf32, #tpu.memory_space<vmem>> -> memref<1x64xf32, #tpu.memory_space<vmem>>
      %dma_wait3A_248 = arith.constant 0 : i32
      %dma_wait3A_249 = arith.constant 0 : i32
      %dma_wait3A_250 = tpu.memref_slice %arg3[%dma_wait3A_248, %dma_wait3A_249] : memref<1000000x64xf32, #tpu.memory_space<hbm>> -> memref<1x64xf32, #tpu.memory_space<hbm>>
      tpu.wait_dma2 semaphore(%arg11 : memref<!tpu.dma_semaphore, #tpu.memory_space<semaphore_mem>>) src(%dma_wait3A_250 : memref<1x64xf32, #tpu.memory_space<hbm>>) dst(%dma_wait3A_247 : memref<1x64xf32, #tpu.memory_space<vmem>>)
    }
    %scan3A_26 = arith.constant 32 : i32
    "tpu.region"() ({
      %run_scoped3A = tpu.sem_alloc : memref<!tpu.dma_semaphore, #tpu.memory_space<semaphore_mem>>
      %dma_start3A = arith.constant 0 : i32
      %dma_start3A_27 = tpu.memref_slice %arg7[%mul3A_2, %dma_start3A] : memref<16384x64xf32, #tpu.memory_space<hbm>> -> memref<512x64xf32, #tpu.memory_space<hbm>>
      %dma_start3A_28 = arith.constant 0 : i32
      %dma_start3A_29 = tpu.memref_slice %arg7[%mul3A_2, %dma_start3A_28] : memref<16384x64xf32, #tpu.memory_space<hbm>> -> memref<512x64xf32, #tpu.memory_space<hbm>>
      tpu.enqueue_dma source(%arg10 : memref<512x64xf32, #tpu.memory_space<vmem>>) target(%dma_start3A_29 : memref<512x64xf32, #tpu.memory_space<hbm>>) target_semaphore(%run_scoped3A : memref<!tpu.dma_semaphore, #tpu.memory_space<semaphore_mem>>)
      %dma_wait3A = arith.constant 0 : i32
      %dma_wait3A_30 = tpu.memref_slice %arg7[%mul3A_2, %dma_wait3A] : memref<16384x64xf32, #tpu.memory_space<hbm>> -> memref<512x64xf32, #tpu.memory_space<hbm>>
      %dma_wait3A_31 = arith.constant 0 : i32
      %dma_wait3A_32 = tpu.memref_slice %arg7[%mul3A_2, %dma_wait3A_31] : memref<16384x64xf32, #tpu.memory_space<hbm>> -> memref<512x64xf32, #tpu.memory_space<hbm>>
      tpu.wait_dma2 semaphore(%run_scoped3A : memref<!tpu.dma_semaphore, #tpu.memory_space<semaphore_mem>>) src(%arg10 : memref<512x64xf32, #tpu.memory_space<vmem>>) dst(%dma_wait3A_32 : memref<512x64xf32, #tpu.memory_space<hbm>>)
      tpu.yield
    }) : () -> ()
    return
  }
}

</mosaic_0001>

<sc_bundles>
// kernel: _gather.3.cloned.1.call-start
scs
__scs_entry_jumppad:
0x0: {  	(pc) =	sbr.rel $0x88, $3  }
0x1: {  	(tag) =	ssettag $0x0;
	lr =	simm.s32 $0x1  }
0x2: {  	[smem:$0x3F9D] =	sst lr;
	_ =	strace $0xD0000000  }
0x3: {  	_ = 	snop  }
0x4: {  	_ = 	snop  }
0x5: {  	_ = 	snop  }
0x6: {  	_ = 	snop  }
0x7: {  	_ = 	snop  }
__scs_overlays_trampoline_lowered:
0x8: {  	[smem:$0x3FAC] =	sst s0  }
0x9: {  	[smem:$0x3FAD] =	sst s1  }
0xa: {  	[smem:$0x3FAE] =	sst s2  }
0xb: {  	[smem:$0x3FAF] =	sst s3  }
0xc: {  	[smem:$0x3FB0] =	sst s4  }
0xd: {  	[smem:$0x3FB1] =	sst s5  }
0xe: {  	[smem:$0x3FB2] =	sst s6  }
0xf: {  	[smem:$0x3FB3] =	sst s7  }
0x10: {  	[smem:$0x3FB4] =	sst s8  }
0x11: {  	[smem:$0x3FB5] =	sst s9;
	s0 =	simm.s32 @!p0 $0x0  }
0x12: {  	s1 =	sld [smem:$0x3F9B];
	s0 =	simm.s32 @p0 $0x1  }
0x13: {  	[smem:$0x3FB6] =	sst s0;
	s0 =	simm.s32 @!p1 $0x0  }
0x14: {  	s2 =	sld [smem:$0x3F9A];
	s0 =	simm.s32 @p1 $0x1  }
0x15: {  	[smem:$0x3FB7] =	sst s0;
	s0 =	simm.s32 @!p2 $0x0  }
0x16: {  	s3 =	sld [smem:$0x3FDB];
	s0 =	simm.s32 @p2 $0x1  }
0x17: {  	s4 =	simm.s32 $0x1BF5;
	[smem:$0x3FB9] =	sst s0  }
0x18: {  	s0 =	sld [smem:$0x3F9C];
	_ =	swait.ge [sflag:s4], $0x0  }
0x19: {  	s7 =	sld [smem:$0x3F9D]  }
0x1a: {  	s8 =	sadd.s32 $0xFFFFE003, lr  }
0x1b: {  	s9 =	sadd.s32 $0xFFFFFEF7, lr;
	s5 =	simm.s32 $0xFFFFFFFF;
	p2 =	slt.u32 s8, $0xFFFFF086  }
0x1c: {  	p1 =	slt.u32 s9, $0xF7A;
	s5 =	simm.s32 @!p2 $0x0  }
0x1d: {  	s5 =	simm.s32 @p1 $0x1;
	p0 =	seq.s32 s7, s2  }
0x1e: {  	s7 =	smul.u32 @!p0 $0xF7A, s2;
	p2 =	seq.s32 @!p0 s5, $0x0  }
0x1f: {  	s9 =	smul.u32 $0xF7A, s1;
	s8 =	simm.s32 @!p0 $0x1BF5;
	p2 =	por !p2, p0  }
0x20: {  	[sflag:s8] =	ssyncset.s32 @!p0 $0xFFFFF086;
	s6 =	sadd.s32 @!p0 s3, s7;
	s7 =	simm.s32 @!p0 $0x108  }
0x21: {  	s3 =	sadd.s32 s3, s9;
	s6 =	sadd.s32 @!p0 $0x88, s6;
	s7 =	simm.s32 @p2 $0x1082  }
0x22: {  	[simem:s7], [sflag:s8] =	dma.local @!p0 [hbm:s6], $0xF7A  }
0x23: {  	s9 =	sor.u32 $0xD0000000, s2;
	s6 =	simm.s32 $0x108;
	_ =	swait.ge @!p0 [sflag:s8], $0x0  }
0x24: {  	s3 =	sadd.s32 $0x88, s3;
	s6 =	simm.s32 @!p1 $0x1082;
	[sflag:s4] =	ssyncset.s32 $0xFFFFF086  }
0x25: {  	[simem:s6], [sflag:s4] =	dma.local [hbm:s3], $0xF7A  }
0x26: {  	[smem:$0x3F9D] =	sst s1;
	(tag) =	ssettag s2;
	_ =	strace s9  }
0x27: {  	s1 =	sld [smem:$0x3FAD]  }
0x28: {  	s2 =	sld [smem:$0x3FAE]  }
0x29: {  	s4 =	sld [smem:$0x3FB0]  }
0x2a: {  	p0 =	seq.s32 s5, $0x0;
	s5 =	sld [smem:$0x3FB1]  }
0x2b: {  	s6 =	sld [smem:$0x3FB2]  }
0x2c: {  	s7 =	sld [smem:$0x3FB3]  }
0x2d: {  	s3 =	simm.s32 $0x108;
	s8 =	sld [smem:$0x3FB4]  }
0x2e: {  	s3 =	simm.s32 @!p0 $0x1082;
	s9 =	sld [smem:$0x3FB5]  }
0x2f: {  	lr =	sadd.s32 s0, s3;
	s0 =	sld [smem:$0x3FAC]  }
0x30: {  	s3 =	sld [smem:$0x3FAF]  }
0x31: {  	[smem:$0x3FB8] =	sst s10  }
0x32: {  	s10 =	sld [smem:$0x3FB6];
	_ =	sdelay $0x3  }
0x33: {  	p0 =	seq.s32 s10, $0x1;
	s10 =	sld [smem:$0x3FB8];
	_ =	sdelay $0x3  }
0x34: {  	[smem:$0x3FB8] =	sst s10  }
0x35: {  	s10 =	sld [smem:$0x3FB7];
	_ =	sdelay $0x3  }
0x36: {  	p1 =	seq.s32 s10, $0x1;
	s10 =	sld [smem:$0x3FB8];
	_ =	sdelay $0x3  }
0x37: {  	[smem:$0x3FB8] =	sst s10  }
0x38: {  	s10 =	sld [smem:$0x3FB9]  }
0x39: {  	_ = 	snop;
	(pc) =	sbr.ind lr, $3  }
0x3a: {  	_ = 	snop  }
0x3b: {  	_ = 	snop  }
0x3c: {  	p2 =	seq.s32 s10, $0x1;
	s10 =	sld [smem:$0x3FB8]  }
0x3d: {  	_ =	shalt  }
0x3e: {  	_ =	shalt  }
0x3f: {  	_ =	shalt  }
0x40: {  	_ =	shalt  }
0x41: {  	_ =	shalt  }
0x42: {  	_ =	shalt  }
0x43: {  	_ =	shalt  }
0x44: {  	_ =	shalt  }
0x45: {  	_ =	shalt  }
0x46: {  	_ =	shalt  }
0x47: {  	_ =	shalt  }
0x48: {  	_ =	shalt  }
0x49: {  	_ =	shalt  }
0x4a: {  	_ =	shalt  }
0x4b: {  	_ =	shalt  }
0x4c: {  	_ =	shalt  }
0x4d: {  	_ =	shalt  }
0x4e: {  	_ =	shalt  }
0x4f: {  	_ =	shalt  }
0x50: {  	_ =	shalt  }
0x51: {  	_ =	shalt  }
0x52: {  	_ =	shalt  }
0x53: {  	_ =	shalt  }
0x54: {  	_ =	shalt  }
0x55: {  	_ =	shalt  }
0x56: {  	_ =	shalt  }
0x57: {  	_ =	shalt  }
0x58: {  	_ =	shalt  }
0x59: {  	_ =	shalt  }
0x5a: {  	_ =	shalt  }
0x5b: {  	_ =	shalt  }
0x5c: {  	_ =	shalt  }
0x5d: {  	_ =	shalt  }
0x5e: {  	_ =	shalt  }
0x5f: {  	_ =	shalt  }
0x60: {  	_ =	shalt  }
0x61: {  	_ =	shalt  }
0x62: {  	_ =	shalt  }
0x63: {  	_ =	shalt  }
0x64: {  	_ =	shalt  }
0x65: {  	_ =	shalt  }
0x66: {  	_ =	shalt  }
0x67: {  	_ =	shalt  }
0x68: {  	_ =	shalt  }
0x69: {  	_ =	shalt  }
0x6a: {  	_ =	shalt  }
0x6b: {  	_ =	shalt  }
0x6c: {  	_ =	shalt  }
0x6d: {  	_ =	shalt  }
0x6e: {  	_ =	shalt  }
0x6f: {  	_ =	shalt  }
0x70: {  	_ =	shalt  }
0x71: {  	_ =	shalt  }
0x72: {  	_ =	shalt  }
0x73: {  	_ =	shalt  }
0x74: {  	_ =	shalt  }
0x75: {  	_ =	shalt  }
0x76: {  	_ =	shalt  }
0x77: {  	_ =	shalt  }
0x78: {  	_ =	shalt  }
0x79: {  	_ =	shalt  }
0x7a: {  	_ =	shalt  }
0x7b: {  	_ =	shalt  }
0x7c: {  	_ =	shalt  }
0x7d: {  	_ =	shalt  }
0x7e: {  	_ =	shalt  }
0x7f: {  	_ =	shalt  }
0x80: {  	_ =	shalt  }
0x81: {  	_ =	shalt  }
0x82: {  	_ =	shalt  }
0x83: {  	_ =	shalt  }
0x84: {  	_ =	shalt  }
0x85: {  	_ =	shalt  }
0x86: {  	_ =	shalt  }
0x87: {  	_ =	shalt  }
.Lfunc_end0:
.L_simem_size_0:
called_computation_lowered:
.L_overlay_start_0:
0x88: {  	s2 =	sld [smem:$0x3FD9]  }
0x89: {  	s3 =	sld [smem:$0x3FFE];
	_ =	sdelay $0x1  }
0x8a: {  	s1 =	srdreg.scid  }
0x8b: {  	s0 =	sand.u32 $0x1, s1  }
0x8c: {  	s17 =	sshll.u32 s0, $0xA;
	s2 =	sadd.s32 s3, s2  }
0x8d: {  	s2 =	sadd.s32 s2, s17  }
0x8e: {  	[smem:$0x3FC4] =	sst s2  }
0x8f: {  	_ = 	snop  }
0x90: {  	s2 =	sld [smem:$0x3FC7]  }
0x91: {  	s18 =	sld [smem:$0x3FC6];
	(tm) =	ssettm $0x1  }
0x92: {  	s4 =	sld [smem:$0x3FFB];
	_ =	sdelay $0x3  }
0x93: {  	_ =	strace s4  }
0x94: {  	s4 =	sld [smem:$0x3FFC];
	_ =	sdelay $0x3  }
0x95: {  	_ =	strace s4  }
0x96: {  	s4 =	sld [smem:$0x3FFD];
	_ =	sdelay $0x3  }
0x97: {  	_ =	strace s4  }
0x98: {  	_ =	strace $0x8FFFFFFF  }
0x99: {  	s19 =	sld [smem:$0x3FDB];
	_ =	sdelay $0x1  }
0x9a: {  	s5 =	simm.s32 $_scs_section_size  }
0x9b: {  	s6 =	simm.s32 $_size__tile_overlayer_lowered;
	s7 =	simm.s32 $_tile_overlayer_lowered  }
0x9c: {  	s22 =	simm.s32 $0x1BFF;
	s21 =	sshll.u32 s7, $0x1;
	s4 =	sadd.s32 s5, s19  }
0x9d: {  	s8 =	simm.s32 $0x0;
	s20 =	sshll.u32 s6, $0x1;
	s6 =	sadd.s32 s21, s4  }
0x9e: {  	[timem:s8], [sflag:s22] =	dma.local [hbm:s6], s20  }
0x9f: {  	_ =	swait.ge [sflag:s22], s20  }
0xa0: {  	s5 =	ssub.s32 $0x0, s20;
	[sflag:s22] =	ssyncset.done $0x0  }
0xa1: {  	[sflag:s22] =	ssyncadd.s32 s5;
	_ =	sdelay $0x1  }
0xa2: {  	s23 =	simm.s32 $0x1B8B  }
0xa3: {  	_ =	swait.ge [sflag:s23], $0x1  }
0xa4: {  	[sflag:s23] =	ssyncset.done $0x0  }
0xa5: {  	s25 =	simm.s32 $0x1B8E;
	s24 =	sld [smem:$0x3FFE];
	[sflag:s23] =	ssyncadd.s32 $0xFFFFFFFF  }
0xa6: {  	s26 =	simm.s32 $execute0_lowered;
	[smem:$0x3FD2] =	sst s25  }
0xa7: {  	s6 =	sshll.u32 s26, $0x1;
	_ =	strace $0x80000046;
	[dreg:$0x1] =	wrdreg $0xFFFFFFFF  }
0xa8: {  	s28 =	simm.s32 $_size_execute0_lowered;
	s4 =	sadd.s32 s4, s6;
	[dreg:$0x0] =	wrdreg $0x0  }
0xa9: {  	s6 =	sshll.u32 s28, $0x1;
	[dreg:$0x2] =	wrdreg s4  }
0xaa: {  	[dreg:$0x3] =	wrdreg s6  }
0xab: {  	[dreg:$0x4] =	wrdreg $0xC0  }
0xac: {  	_ =	task [dreg:s8], $0x5FFFF  }
0xad: {  	[dreg:$0x1] =	wrdreg $0xFFFFFFFF  }
0xae: {  	[dreg:$0x0] =	wrdreg $0x60  }
0xaf: {  	[dreg:$0x2] =	wrdreg s24  }
0xb0: {  	[dreg:$0x3] =	wrdreg s2  }
0xb1: {  	[dreg:$0x4] =	wrdreg s18  }
0xb2: {  	[dreg:$0x5] =	wrdreg $0x9  }
0xb3: {  	_ =	task.clear_ibuf [dreg:s8], $0x6FFFF;
	_ =	strace $0x90000046  }
0xb4: {  	s29 =	simm.s32 $0x9;
	_ =	strace $0x80000048  }
0xb5: {  	_ =	swait.ge [sflag:s29], $0x1  }
0xb6: {  	[sflag:s29] =	ssyncadd.s32 $0xFFFFFFFF  }
0xb7: {  	_ =	strace $0x90000048  }
0xb8: {  	_ =	sfence  }
0xb9: {  	s30 =	sld [smem:$0x0];
	_ =	sdelay $0x2  }
0xba: {  	s31 =	sshll.u32 s1, $0xD;
	s1 =	sshrl.u32 s1, $0x2  }
0xbb: {  	s3 =	sand.u32 $0x4000, s31;
	s1 =	sadd.s32 s1, s30  }
0xbc: {  	s0 =	sor.u32 s3, s0;
	s1 =	sshll.u32 s1, $0x11  }
0xbd: {  	s0 =	sor.u32 s1, s0  }
0xbe: {  	s0 =	sadd.s32 $0x8F2B, s0  }
0xbf: {  	[sflag:s0] =	ssyncadd.remote.s32 $0x1  }
0xc0: {  	_ =	sfence.sel $0xFFFF  }
0xc1: {  	[dreg:$0x0] =	wrdreg $0xFFFFFFFF;
	(pc) =	sbr.abs _section_cstart, $3  }
0xc2: {  	[dreg:$0x1] =	wrdreg $0xFFFFFFFF  }
0xc3: {  	_ =	task.clear_ibuf [dreg:s8], $0x2FFFF;
	_ =	strace $0x9FFFFFFF  }
0xc4: {  	(tm) =	ssettm $0x7FFFFFFF  }
0xc5: {  	_ =	shalt  }
tec
execute0_lowered:
.L_overlay_start_1:
0x0: {  	(tag) =	ssettag $0x1  }
0x1: {  	s0 =	rddreg [dreg:$0x0]  }
0x2: {  	s1 =	rddreg [dreg:$0x1]  }
0x3: {  	s5 =	rddreg [dreg:$0x2];
	s2 =	simm.s32 $0x0  }
0x4: {  	s3 =	srdreg.scid;
	s4 =	stileid.u32;
	s10 =	simm.s32 $0x2  }
0x5: {  	s12 =	simm.s32 $0x1;
	s14 =	simm.s32 $0x0;
	s6 =	sand.u32 $0x1, s3  }
0x6: {  	[smem:$0x7FF] =	sst s2;
	s7 =	sshll.u32 s4, $0xA;
	s8 =	sshll.u32 s6, $0x9  }
0x7: {  	vm0 =	vmmov $0x1;
	s3 =	sadd.s32 $0x800, s0;
	s4 =	sadd.s32 $0xF42C00, s0;
	s7 =	sor.u32 s8, s7  }
0x8: {  	vm1 =	vcmask $0x308;
	vm2 =	vcmask $0x70C;
	vm3 =	vcmask $0xB10;
	s6 =	ssub.s32 $0x2, s6;
	s8 =	sshll.u32 s7, $0x4;
	s7 =	sshrl.u32 s7, $0x3  }
0x9: {  	vm4 =	vcmask $0xF14;
	vm5 =	vcmask $0x1318;
	vm6 =	vcmask $0x171C;
	_ =	strace $0x80000047;
	s9 =	sshrl.u32 s6, $0x1;
	s1 =	sadd.s32 s1, s7  }
0xa: {  	vm7 =	vcmask $0x1B20;
	vm8 =	vcmask $0x1F24;
	vm9 =	vcmask $0x2328;
	s0 =	sadd.s32 s8, s0;
	s30 =	sadd.s32 s5, s7;
	[dreg:$0x4] =	wrdreg s1  }
0xb: {  	vm10 =	vcmask $0x272C;
	vm11 =	vcmask $0x2B30;
	vm12 =	vcmask $0x2F34;
	s6 =	ssub.s32 s6, s9;
	[dreg:$0x5] =	wrdreg s30;
	s31 =	sadd.s32 $0x1E85000, s0  }
0xc: {  	vm13 =	vcmask $0x3338;
	vm14 =	vcmask $0x373C;
	vm15 =	vmmov $0x7fff;
	s9 =	smax.u32 s6, $0x1;
	s8 =	sadd.s32 $0x1EC5000, s0;
	[dreg:$0x6] =	wrdreg s31  }
.LBB2_1:
0xd: {  	s0 =	rddreg [dreg:$0x4]  }
0xe: {  	[tilespmem:s2], [sflag:$0x2] =	stream.linear.gather [hbm4b:s0+s2], $0x200, $0x38;
	[tilespmem:$0x10400] =	vst v63  }
0xf: {  	_ =	swait.ge [sflag:s10], $0x200  }
0x10: {  	[sflag:s10] =	ssyncset.done $0x0  }
0x11: {  	s1 =	simm.s32 $0x200;
	s7 =	rddreg [dreg:$0x5];
	[sflag:s10] =	ssyncadd.s32 $0xFFFFFE00  }
0x12: {  	[tilespmem:s1], [sflag:$0x2] =	stream.linear.gather [hbm4b:s7+s2], $0x200, $0x38;
	[tilespmem:$0x10400] =	vst v63  }
0x13: {  	_ =	swait.ge [sflag:s10], $0x200  }
0x14: {  	[sflag:s10] =	ssyncset.done $0x0  }
0x15: {  	[sflag:s10] =	ssyncadd.s32 $0xFFFFFE00  }
0x16: {  	v0 =	vld [tilespmem:s2+$0x0];
	_ =	sdelay $0x4  }
0x17: {  	v1 =	vsel vm3, $0x0, v0  }
0x18: {  	v2 =	vnsel vm0, $0x0, v0;
	v1 =	vxor.u32 $0x80000000, v1  }
0x19: {  	v2 =	vxor.u32 $0x80000000, v2;
	(xrf0) =	vmax.scan.msk.u32 $0xffff, v1;
	v1 =	vsel vm7, $0x0, v0  }
0x1a: {  	(xrf0) =	vmax.scan.msk.u32 $0xffff, v2;
	v2 =	vsel vm1, $0x0, v0;
	v1 =	vxor.u32 $0x80000000, v1  }
0x1b: {  	v2 =	vxor.u32 $0x80000000, v2;
	(xrf0) =	vmax.scan.msk.u32 $0xffff, v1;
	v1 =	vsel vm6, $0x0, v0  }
0x1c: {  	(xrf0) =	vmax.scan.msk.u32 $0xffff, v2;
	v2 =	vsel vm2, $0x0, v0;
	v1 =	vxor.u32 $0x80000000, v1  }
0x1d: {  	v2 =	vxor.u32 $0x80000000, v2;
	_ =	sdelay $0x1  }
0x1e: {  	(xrf0) =	vmax.scan.msk.u32 $0xffff, v1;
	v1, _, _ =	vpop (xrf0)  }
0x1f: {  	(xrf0) =	vmax.scan.msk.u32 $0xffff, v2;
	v2, _, _ =	vpop (xrf0);
	(v2sf) =	vpush v1, $0xF  }
0x20: {  	(v2sf) =	vpush v2, $0xF;
	v1, _, _ =	vpop (xrf0)  }
0x21: {  	(v2sf) =	vpush v1, $0xF;
	_ =	sdelay $0x2  }
0x22: {  	v1 =	vsel vm4, $0x0, v0  }
0x23: {  	v2, _, _ =	vpop (xrf0);
	v1 =	vxor.u32 $0x80000000, v1  }
0x24: {  	v3 =	vsel vm5, $0x0, v0;
	(v2sf) =	vpush v2, $0xF;
	v2, _, _ =	vpop (xrf0);
	(xrf0) =	vmax.scan.msk.u32 $0xffff, v1  }
0x25: {  	(v2sf) =	vpush v2, $0xF;
	v2 =	vxor.u32 $0x80000000, v3;
	v3 =	vsel vm8, $0x0, v0  }
0x26: {  	v1 =	vsel vm9, $0x0, v0;
	v3 =	vxor.u32 $0x80000000, v3;
	(xrf0) =	vmax.scan.msk.u32 $0xffff, v2  }
0x27: {  	v1 =	vxor.u32 $0x80000000, v1;
	v2 =	vsel vm10, $0x0, v0;
	(xrf0) =	vmax.scan.msk.u32 $0xffff, v3  }
0x28: {  	v4, _, _ =	vpop (xrf0);
	v2 =	vxor.u32 $0x80000000, v2;
	v3 =	vsel vm11, $0x0, v0;
	(xrf0) =	vmax.scan.msk.u32 $0xffff, v1  }
0x29: {  	(v2sf) =	vpush v4, $0xF;
	v3 =	vxor.u32 $0x80000000, v3;
	(xrf0) =	vmax.scan.msk.u32 $0xffff, v2  }
0x2a: {  	(xrf0) =	vmax.scan.msk.u32 $0xffff, v3;
	v3 =	vsel vm14, $0x0, v0;
	v4, _, _ =	vpop (xrf0)  }
0x2b: {  	v1 =	vsel vm12, $0x0, v0;
	(v2sf) =	vpush v4, $0xF  }
0x2c: {  	v1 =	vxor.u32 $0x80000000, v1;
	s13 =	spop (v2sf)  }
0x2d: {  	(xrf0) =	vmax.scan.msk.u32 $0xffff, v1;
	v1 =	vxor.u32 $0x80000000, v3;
	v3, _, _ =	vpop (xrf0);
	s5 =	spop (v2sf)  }
0x2e: {  	s16 =	simm.s32 $0x2000;
	s15 =	simm.s32 $0x0;
	v2 =	vsel vm13, $0x0, v0;
	s6 =	spop (v2sf);
	(v2sf) =	vpush v3, $0xF  }
0x2f: {  	s21 =	simm.s32 $0x500;
	s18 =	simm.s32 $0x600;
	s11 =	simm.s32 $0x400;
	v2 =	vxor.u32 $0x80000000, v2  }
0x30: {  	s25 =	simm.s32 $0x480;
	s19 =	simm.s32 $0x680;
	s22 =	simm.s32 $0x700;
	v0 =	vsel vm15, $0x0, v0;
	(xrf0) =	vmax.scan.msk.u32 $0xffff, v2  }
0x31: {  	s28 =	simm.s32 $0x580;
	s20 =	simm.s32 $0xA80;
	s17 =	simm.s32 $0x10;
	v0 =	vxor.u32 $0x80000000, v0;
	v5, _, _ =	vpop (xrf0);
	(xrf0) =	vmax.scan.msk.u32 $0xffff, v1  }
0x32: {  	s26 =	simm.s32 $0x900;
	s24 =	simm.s32 $0x980;
	s23 =	simm.s32 $0xA00;
	v6, _, _ =	vpop (xrf0);
	(xrf0) =	vmax.scan.msk.u32 $0xffff, v0;
	(v2sf) =	vpush v5, $0xF  }
0x33: {  	s30 =	simm.s32 $0x800;
	s29 =	simm.s32 $0x880;
	v7, _, _ =	vpop (xrf0);
	s5 =	sshll.u32 s5, $0x4  }
0x34: {  	s31 =	simm.s32 $0x780;
	s1 =	sshll.u32 s13, $0x4;
	v4, _, _ =	vpop (xrf0);
	s5 =	sand.u32 $0x1FFFFFF0, s5;
	(v2sf) =	vpush v6, $0xF  }
0x35: {  	v3, _, _ =	vpop (xrf0);
	s1 =	sand.u32 $0x1FFFFFF0, s1;
	s13 =	spop (v2sf);
	s5 =	sadd.s32 s3, s5  }
0x36: {  	v2, _, _ =	vpop (xrf0);
	[tilespmem:s11], [sflag:$0x1] =	stream.linear.gather [hbm4b:s5+s2], $0x80, $0x38;
	[tilespmem:$0x10400] =	vst v63  }
0x37: {  	v1, _, _ =	vpop (xrf0);
	s7 =	spop (v2sf);
	s11 =	sshll.u32 s6, $0x4;
	s6 =	sshll.u32 s13, $0x4  }
0x38: {  	v0, _, _ =	vpop (xrf0);
	s5 =	sshll.u32 s7, $0x4;
	(v2sf) =	vpush v7, $0xF;
	s13 =	sand.u32 $0x1FFFFFF0, s6;
	s6 =	spop (v2sf)  }
.LBB2_2:
0x39: {  	s13 =	sadd.s32 s3, s13  }
0x3a: {  	s6 =	sshll.u32 s6, $0x4;
	s7 =	spop (v2sf);
	(v2sf) =	vpush v4, $0xF;
	s0 =	smov.u32 s16  }
0x3b: {  	[tilespmem:s25], [sflag:$0x1] =	stream.linear.gather [hbm4b:s13+s2], $0x80, $0x38;
	[tilespmem:$0x10400] =	vst v63  }
0x3c: {  	s5 =	sand.u32 $0x1FFFFFF0, s5;
	s6 =	sand.u32 $0x1FFFFFF0, s6;
	s7 =	sshll.u32 s7, $0x4  }
0x3d: {  	s6 =	sadd.s32 s3, s6;
	s7 =	sand.u32 $0x1FFFFFF0, s7;
	s13 =	spop (v2sf)  }
0x3e: {  	[tilespmem:s21], [sflag:$0x1] =	stream.linear.gather [hbm4b:s6+s2], $0x80, $0x38;
	(v2sf) =	vpush v3, $0xF;
	[tilespmem:$0x10400] =	vst v63  }
0x3f: {  	s1 =	sadd.s32 s3, s1;
	s11 =	sand.u32 $0x1FFFFFF0, s11;
	s6 =	sshll.u32 s13, $0x4  }
0x40: {  	[tilespmem:s28], [sflag:$0x1] =	stream.linear.gather [hbm4b:s1+s2], $0x80, $0x38;
	(v2sf) =	vpush v2, $0xF;
	[tilespmem:$0x10400] =	vst v63  }
0x41: {  	s6 =	sand.u32 $0x1FFFFFF0, s6;
	s1 =	sadd.s32 s3, s7;
	s7 =	spop (v2sf)  }
0x42: {  	[tilespmem:s18], [sflag:$0x1] =	stream.linear.gather [hbm4b:s1+s2], $0x80, $0x38;
	(v2sf) =	vpush v1, $0xF;
	[tilespmem:$0x10400] =	vst v63  }
0x43: {  	s1 =	sadd.s32 s3, s6;
	s6 =	sshll.u32 s7, $0x4;
	s7 =	spop (v2sf)  }
0x44: {  	[tilespmem:s19], [sflag:$0x1] =	stream.linear.gather [hbm4b:s1+s2], $0x80, $0x38;
	[tilespmem:$0x10400] =	vst v63  }
0x45: {  	s1 =	sadd.s32 s3, s5;
	s5 =	sand.u32 $0x1FFFFFF0, s6;
	s6 =	sshll.u32 s7, $0x4;
	(v2sf) =	vpush v0, $0xF  }
0x46: {  	[tilespmem:s22], [sflag:$0x1] =	stream.linear.gather [hbm4b:s1+s2], $0x80, $0x38;
	[tilespmem:$0x10400] =	vst v63  }
0x47: {  	s6 =	sand.u32 $0x1FFFFFF0, s6;
	s1 =	sadd.s32 s3, s11;
	s7 =	spop (v2sf)  }
0x48: {  	[tilespmem:s31], [sflag:$0x1] =	stream.linear.gather [hbm4b:s1+s2], $0x80, $0x38;
	[tilespmem:$0x10400] =	vst v63  }
0x49: {  	s1 =	sadd.s32 s3, s5;
	s5 =	sshll.u32 s7, $0x4;
	s7 =	spop (v2sf)  }
0x4a: {  	[tilespmem:s30], [sflag:$0x1] =	stream.linear.gather [hbm4b:s1+s2], $0x80, $0x38;
	[tilespmem:$0x10400] =	vst v63  }
0x4b: {  	s5 =	sand.u32 $0x1FFFFFF0, s5;
	s1 =	sadd.s32 s3, s6;
	s6 =	sshll.u32 s7, $0x4  }
0x4c: {  	[tilespmem:s29], [sflag:$0x1] =	stream.linear.gather [hbm4b:s1+s2], $0x80, $0x38;
	[tilespmem:$0x10400] =	vst v63  }
0x4d: {  	s1 =	sadd.s32 s3, s5;
	s5 =	sand.u32 $0x1FFFFFF0, s6;
	s6 =	spop (v2sf)  }
0x4e: {  	[tilespmem:s26], [sflag:$0x1] =	stream.linear.gather [hbm4b:s1+s2], $0x80, $0x38;
	[tilespmem:$0x10400] =	vst v63  }
0x4f: {  	s1 =	sadd.s32 s3, s5;
	s5 =	sshll.u32 s6, $0x4;
	s6 =	spop (v2sf)  }
0x50: {  	[tilespmem:s24], [sflag:$0x1] =	stream.linear.gather [hbm4b:s1+s2], $0x80, $0x38;
	[tilespmem:$0x10400] =	vst v63  }
0x51: {  	s1 =	sand.u32 $0x1FFFFFF0, s5;
	s5 =	sshll.u32 s6, $0x4;
	s6 =	spop (v2sf)  }
0x52: {  	s1 =	sadd.s32 s3, s1;
	s5 =	sand.u32 $0x1FFFFFF0, s5;
	s6 =	sshll.u32 s6, $0x4  }
0x53: {  	[tilespmem:s23], [sflag:$0x1] =	stream.linear.gather [hbm4b:s1+s2], $0x80, $0x38;
	[tilespmem:$0x10400] =	vst v63  }
0x54: {  	s1 =	sadd.s32 s3, s5;
	s5 =	sand.u32 $0x1FFFFFF0, s6;
	s6 =	spop (v2sf)  }
0x55: {  	[tilespmem:s20], [sflag:$0x1] =	stream.linear.gather [hbm4b:s1+s2], $0x80, $0x38;
	[tilespmem:$0x10400] =	vst v63  }
0x56: {  	s5 =	sadd.s32 s3, s5;
	s1 =	sadd.s32 $0xB00, s15;
	s6 =	sshll.u32 s6, $0x4  }
0x57: {  	[tilespmem:s1], [sflag:$0x1] =	stream.linear.gather [hbm4b:s5+s2], $0x80, $0x38;
	[tilespmem:$0x10400] =	vst v63  }
0x58: {  	p0 =	sne.s32 s16, $0x3E000;
	s16 =	sadd.s32 $0x2000, s16;
	s1 =	sand.u32 $0x1FFFFFF0, s6  }
0x59: {  	s5 =	sadd.s32 $0xB80, s15;
	s1 =	sadd.s32 s3, s1  }
0x5a: {  	[tilespmem:s5], [sflag:$0x1] =	stream.linear.gather [hbm4b:s1+s2], $0x80, $0x38;
	[tilespmem:$0x10400] =	vst v63  }
0x5b: {  	_ = 	snop  }
0x5c: {  	v0 =	vld [tilespmem:s17+$0x0];
	_ =	sdelay $0x2  }
0x5d: {  	s15 =	sshra.s32 s0, $0x2  }
0x5e: {  	s21 =	sadd.s32 $0x500, s15  }
0x5f: {  	s18 =	sadd.s32 $0x600, s15;
	v1 =	vnsel vm0, $0x0, v0;
	v2 =	vsel vm3, $0x0, v0;
	v3 =	vsel vm14, $0x0, v0  }
0x60: {  	s0 =	sadd.s32 $0x400, s15;
	s25 =	sadd.s32 $0x480, s15;
	v4 =	vsel vm6, $0x0, v0;
	v5 =	vsel vm13, $0x0, v0;
	v2 =	vxor.u32 $0x80000000, v2  }
0x61: {  	v6 =	vsel vm7, $0x0, v0;
	v1 =	vxor.u32 $0x80000000, v1;
	v3 =	vxor.u32 $0x80000000, v3;
	(xrf0) =	vmax.scan.msk.u32 $0xffff, v2  }
0x62: {  	s19 =	sadd.s32 $0x680, s15;
	v7 =	vsel vm2, $0x0, v0;
	v6 =	vxor.u32 $0x80000000, v6;
	v2 =	vsel vm1, $0x0, v0;
	(xrf0) =	vmax.scan.msk.u32 $0xffff, v1  }
0x63: {  	v8 =	vsel vm5, $0x0, v0;
	v1 =	vxor.u32 $0x80000000, v2;
	v2 =	vsel vm4, $0x0, v0;
	(xrf0) =	vmax.scan.msk.u32 $0xffff, v6  }
0x64: {  	v4 =	vxor.u32 $0x80000000, v4;
	v2 =	vxor.u32 $0x80000000, v2;
	v6 =	vxor.u32 $0x80000000, v8;
	(xrf0) =	vmax.scan.msk.u32 $0xffff, v1  }
0x65: {  	v8 =	vsel vm9, $0x0, v0;
	v1 =	vxor.u32 $0x80000000, v7;
	v7 =	vsel vm8, $0x0, v0;
	(xrf0) =	vmax.scan.msk.u32 $0xffff, v4  }
0x66: {  	v4 =	vxor.u32 $0x80000000, v7;
	v7 =	vxor.u32 $0x80000000, v8;
	v8 =	vsel vm10, $0x0, v0;
	(xrf0) =	vmax.scan.msk.u32 $0xffff, v1  }
0x67: {  	s22 =	sadd.s32 $0x700, s15;
	v11 =	vsel vm12, $0x0, v0;
	v1 =	vxor.u32 $0x80000000, v8;
	v8 =	vsel vm11, $0x0, v0;
	v10, _, _ =	vpop (xrf0);
	(xrf0) =	vmax.scan.msk.u32 $0xffff, v2  }
0x68: {  	s28 =	sadd.s32 $0x580, s15;
	v2 =	vxor.u32 $0x80000000, v8;
	v8 =	vxor.u32 $0x80000000, v11;
	v9, _, _ =	vpop (xrf0);
	(v2sf) =	vpush v10, $0xF;
	(xrf0) =	vmax.scan.msk.u32 $0xffff, v6  }
0x69: {  	v5 =	vxor.u32 $0x80000000, v5;
	v0 =	vsel vm15, $0x0, v0;
	(v2sf) =	vpush v9, $0xF;
	v6, _, _ =	vpop (xrf0);
	(xrf0) =	vmax.scan.msk.u32 $0xffff, v4  }
0x6a: {  	v0 =	vxor.u32 $0x80000000, v0;
	v4, _, _ =	vpop (xrf0);
	(v2sf) =	vpush v6, $0xF;
	(xrf0) =	vmax.scan.msk.u32 $0xffff, v7  }
0x6b: {  	(v2sf) =	vpush v4, $0xF;
	v4, _, _ =	vpop (xrf0);
	(xrf0) =	vmax.scan.msk.u32 $0xffff, v1  }
0x6c: {  	v1, _, _ =	vpop (xrf0);
	(v2sf) =	vpush v4, $0xF;
	(xrf0) =	vmax.scan.msk.u32 $0xffff, v2  }
0x6d: {  	(v2sf) =	vpush v1, $0xF;
	v1, _, _ =	vpop (xrf0);
	(xrf0) =	vmax.scan.msk.u32 $0xffff, v8  }
0x6e: {  	v2, _, _ =	vpop (xrf0);
	(xrf0) =	vmax.scan.msk.u32 $0xffff, v5  }
0x6f: {  	(v2sf) =	vpush v1, $0xF;
	v5, _, _ =	vpop (xrf0);
	(xrf0) =	vmax.scan.msk.u32 $0xffff, v3  }
0x70: {  	v6, _, _ =	vpop (xrf0);
	(xrf0) =	vmax.scan.msk.u32 $0xffff, v0  }
0x71: {  	v7, _, _ =	vpop (xrf0)  }
0x72: {  	(v2sf) =	vpush v2, $0xF;
	v4, _, _ =	vpop (xrf0)  }
0x73: {  	v3, _, _ =	vpop (xrf0)  }
0x74: {  	v2, _, _ =	vpop (xrf0)  }
0x75: {  	s20 =	sadd.s32 $0xA80, s15;
	s17 =	sadd.s32 $0x10, s17;
	v1, _, _ =	vpop (xrf0)  }
0x76: {  	s26 =	sadd.s32 $0x900, s15;
	s24 =	sadd.s32 $0x980, s15;
	s23 =	sadd.s32 $0xA00, s15;
	(v2sf) =	vpush v5, $0xF;
	v0, _, _ =	vpop (xrf0)  }
0x77: {  	s30 =	sadd.s32 $0x800, s15;
	s29 =	sadd.s32 $0x880, s15;
	s1 =	spop (v2sf)  }
0x78: {  	s5 =	spop (v2sf)  }
0x79: {  	s31 =	sadd.s32 $0x780, s15;
	s1 =	sshll.u32 s1, $0x4;
	(v2sf) =	vpush v6, $0xF;
	s5 =	sshll.u32 s5, $0x4  }
.Ltmp0:
0x7a: {  	s1 =	sand.u32 $0x1FFFFFF0, s1;
	s6 =	spop (v2sf);
	(pc) =	sbr.rel @p0 .LBB2_2-.Ltmp0, $4  }
0x7b: {  	s5 =	sand.u32 $0x1FFFFFF0, s5;
	s11 =	sshll.u32 s6, $0x4;
	s6 =	spop (v2sf)  }
0x7c: {  	s7 =	sadd.s32 s3, s5;
	s5 =	sshll.u32 s6, $0x4;
	s6 =	spop (v2sf)  }
0x7d: {  	s13 =	sand.u32 $0x1FFFFFF0, s5;
	s5 =	sshll.u32 s6, $0x4;
	s6 =	spop (v2sf);
	(v2sf) =	vpush v7, $0xF  }
0x7e: {  	[tilespmem:s0], [sflag:$0x1] =	stream.linear.gather [hbm4b:s7+s2], $0x80, $0x38;
	[tilespmem:$0x10400] =	vst v63  }
0x7f: {  	s0 =	sadd.s32 s3, s13;
	s6 =	sshll.u32 s6, $0x4  }
0x80: {  	[tilespmem:s25], [sflag:$0x1] =	stream.linear.gather [hbm4b:s0+s2], $0x80, $0x38;
	[tilespmem:$0x10400] =	vst v63  }
0x81: {  	s7 =	spop (v2sf);
	(v2sf) =	vpush v4, $0xF;
	s5 =	sand.u32 $0x1FFFFFF0, s5;
	s6 =	sand.u32 $0x1FFFFFF0, s6  }
0x82: {  	s13 =	sshll.u32 s7, $0x4;
	s0 =	sadd.s32 s3, s6;
	s16 =	spop (v2sf)  }
0x83: {  	(v2sf) =	vpush v3, $0xF;
	[tilespmem:s21], [sflag:$0x1] =	stream.linear.gather [hbm4b:s0+s2], $0x80, $0x38;
	[tilespmem:$0x10400] =	vst v63  }
0x84: {  	s17 =	sadd.s32 s3, s1;
	s6 =	sand.u32 $0x1FFFFFF0, s13;
	s21 =	sshll.u32 s16, $0x4;
	(v2sf) =	vpush v2, $0xF  }
0x85: {  	[tilespmem:s28], [sflag:$0x1] =	stream.linear.gather [hbm4b:s17+s2], $0x80, $0x38;
	[tilespmem:$0x10400] =	vst v63  }
0x86: {  	s25 =	sand.u32 $0x1FFFFFF0, s11;
	s6 =	sadd.s32 s3, s6;
	s1 =	sand.u32 $0x1FFFFFF0, s21  }
0x87: {  	[tilespmem:s18], [sflag:$0x1] =	stream.linear.gather [hbm4b:s6+s2], $0x80, $0x38;
	[tilespmem:$0x10400] =	vst v63  }
0x88: {  	s21 =	sadd.s32 s3, s25;
	s13 =	sadd.s32 s3, s1;
	s11 =	spop (v2sf);
	(v2sf) =	vpush v1, $0xF  }
0x89: {  	[tilespmem:s19], [sflag:$0x1] =	stream.linear.gather [hbm4b:s13+s2], $0x80, $0x38;
	[tilespmem:$0x10400] =	vst v63  }
0x8a: {  	s16 =	sshll.u32 s11, $0x4;
	s18 =	sadd.s32 s3, s5;
	s17 =	spop (v2sf);
	(v2sf) =	vpush v0, $0xF  }
0x8b: {  	[tilespmem:s22], [sflag:$0x1] =	stream.linear.gather [hbm4b:s18+s2], $0x80, $0x38;
	[tilespmem:$0x10400] =	vst v63  }
0x8c: {  	s1 =	sand.u32 $0x1FFFFFF0, s16;
	s19 =	sshll.u32 s17, $0x4;
	s22 =	spop (v2sf)  }
0x8d: {  	[tilespmem:s31], [sflag:$0x1] =	stream.linear.gather [hbm4b:s21+s2], $0x80, $0x38;
	[tilespmem:$0x10400] =	vst v63  }
0x8e: {  	s25 =	sadd.s32 s3, s1;
	s5 =	sand.u32 $0x1FFFFFF0, s19;
	s28 =	sshll.u32 s22, $0x4  }
0x8f: {  	[tilespmem:s30], [sflag:$0x1] =	stream.linear.gather [hbm4b:s25+s2], $0x80, $0x38;
	[tilespmem:$0x10400] =	vst v63  }
0x90: {  	s5 =	sadd.s32 s3, s5;
	s31 =	spop (v2sf);
	s1 =	sand.u32 $0x1FFFFFF0, s28  }
0x91: {  	[tilespmem:s29], [sflag:$0x1] =	stream.linear.gather [hbm4b:s5+s2], $0x80, $0x38;
	[tilespmem:$0x10400] =	vst v63  }
0x92: {  	s7 =	sshll.u32 s31, $0x4;
	s11 =	sadd.s32 s3, s1;
	s16 =	spop (v2sf)  }
0x93: {  	s13 =	sand.u32 $0x1FFFFFF0, s7;
	s18 =	sshll.u32 s16, $0x4;
	s19 =	spop (v2sf)  }
0x94: {  	[tilespmem:s26], [sflag:$0x1] =	stream.linear.gather [hbm4b:s11+s2], $0x80, $0x38;
	[tilespmem:$0x10400] =	vst v63  }
0x95: {  	s17 =	sadd.s32 s3, s13;
	s21 =	sand.u32 $0x1FFFFFF0, s18;
	s22 =	sshll.u32 s19, $0x4  }
0x96: {  	[tilespmem:s24], [sflag:$0x1] =	stream.linear.gather [hbm4b:s17+s2], $0x80, $0x38;
	[tilespmem:$0x10400] =	vst v63  }
0x97: {  	s0 =	sadd.s32 s3, s21;
	s1 =	sand.u32 $0x1FFFFFF0, s22;
	s24 =	spop (v2sf)  }
0x98: {  	[tilespmem:s23], [sflag:$0x1] =	stream.linear.gather [hbm4b:s0+s2], $0x80, $0x38;
	[tilespmem:$0x10400] =	vst v63  }
0x99: {  	s25 =	sadd.s32 s3, s1;
	s5 =	sshll.u32 s24, $0x4;
	s28 =	spop (v2sf)  }
0x9a: {  	[tilespmem:s20], [sflag:$0x1] =	stream.linear.gather [hbm4b:s25+s2], $0x80, $0x38;
	[tilespmem:$0x10400] =	vst v63  }
0x9b: {  	s26 =	sand.u32 $0x1FFFFFF0, s5;
	s5 =	sshll.u32 s28, $0x4  }
0x9c: {  	s29 =	sadd.s32 $0xB00, s15;
	s1 =	sadd.s32 s3, s26;
	s30 =	sand.u32 $0x1FFFFFF0, s5  }
0x9d: {  	[tilespmem:s29], [sflag:$0x1] =	stream.linear.gather [hbm4b:s1+s2], $0x80, $0x38;
	[tilespmem:$0x10400] =	vst v63  }
0x9e: {  	s31 =	sadd.s32 $0xB80, s15;
	s0 =	sadd.s32 s3, s30  }
0x9f: {  	[tilespmem:s31], [sflag:$0x1] =	stream.linear.gather [hbm4b:s0+s2], $0x80, $0x38;
	[tilespmem:$0x10400] =	vst v63  }
0xa0: {  	_ =	swait.ge [sflag:s12], $0x80  }
0xa1: {  	[sflag:s12] =	ssyncset.done $0x0  }
0xa2: {  	[sflag:s12] =	ssyncadd.s32 $0xFFFFFF80  }
0xa3: {  	_ =	swait.ge [sflag:s12], $0x80  }
0xa4: {  	[sflag:s12] =	ssyncset.done $0x0  }
0xa5: {  	[sflag:s12] =	ssyncadd.s32 $0xFFFFFF80  }
0xa6: {  	_ =	swait.ge [sflag:s12], $0x80  }
0xa7: {  	[sflag:s12] =	ssyncset.done $0x0  }
0xa8: {  	[sflag:s12] =	ssyncadd.s32 $0xFFFFFF80  }
0xa9: {  	_ =	swait.ge [sflag:s12], $0x80  }
0xaa: {  	[sflag:s12] =	ssyncset.done $0x0  }
0xab: {  	[sflag:s12] =	ssyncadd.s32 $0xFFFFFF80  }
0xac: {  	_ =	swait.ge [sflag:s12], $0x80  }
0xad: {  	[sflag:s12] =	ssyncset.done $0x0  }
0xae: {  	[sflag:s12] =	ssyncadd.s32 $0xFFFFFF80  }
0xaf: {  	_ =	swait.ge [sflag:s12], $0x80  }
0xb0: {  	[sflag:s12] =	ssyncset.done $0x0  }
0xb1: {  	[sflag:s12] =	ssyncadd.s32 $0xFFFFFF80  }
0xb2: {  	_ =	swait.ge [sflag:s12], $0x80  }
0xb3: {  	[sflag:s12] =	ssyncset.done $0x0  }
0xb4: {  	[sflag:s12] =	ssyncadd.s32 $0xFFFFFF80  }
0xb5: {  	_ =	swait.ge [sflag:s12], $0x80  }
0xb6: {  	[sflag:s12] =	ssyncset.done $0x0  }
0xb7: {  	[sflag:s12] =	ssyncadd.s32 $0xFFFFFF80  }
0xb8: {  	_ =	swait.ge [sflag:s12], $0x80  }
0xb9: {  	[sflag:s12] =	ssyncset.done $0x0  }
0xba: {  	[sflag:s12] =	ssyncadd.s32 $0xFFFFFF80  }
0xbb: {  	_ =	swait.ge [sflag:s12], $0x80  }
0xbc: {  	[sflag:s12] =	ssyncset.done $0x0  }
0xbd: {  	[sflag:s12] =	ssyncadd.s32 $0xFFFFFF80  }
0xbe: {  	_ =	swait.ge [sflag:s12], $0x80  }
0xbf: {  	[sflag:s12] =	ssyncset.done $0x0  }
0xc0: {  	[sflag:s12] =	ssyncadd.s32 $0xFFFFFF80  }
0xc1: {  	_ =	swait.ge [sflag:s12], $0x80  }
0xc2: {  	[sflag:s12] =	ssyncset.done $0x0  }
0xc3: {  	[sflag:s12] =	ssyncadd.s32 $0xFFFFFF80  }
0xc4: {  	_ =	swait.ge [sflag:s12], $0x80  }
0xc5: {  	[sflag:s12] =	ssyncset.done $0x0  }
0xc6: {  	[sflag:s12] =	ssyncadd.s32 $0xFFFFFF80  }
0xc7: {  	_ =	swait.ge [sflag:s12], $0x80  }
0xc8: {  	[sflag:s12] =	ssyncset.done $0x0  }
0xc9: {  	[sflag:s12] =	ssyncadd.s32 $0xFFFFFF80  }
0xca: {  	_ =	swait.ge [sflag:s12], $0x80  }
0xcb: {  	[sflag:s12] =	ssyncset.done $0x0  }
0xcc: {  	[sflag:s12] =	ssyncadd.s32 $0xFFFFFF80  }
0xcd: {  	_ =	swait.ge [sflag:s12], $0x80  }
0xce: {  	s0 =	simm.s32 $0x1F;
	[sflag:s12] =	ssyncset.done $0x0  }
.LBB2_4:
0xcf: {  	p0 =	sne.s32 s0, $0x1;
	s0 =	sadd.s32 $0xFFFFFFFF, s0;
	[sflag:s12] =	ssyncadd.s32 $0xFFFFFF80  }
0xd0: {  	_ =	swait.ge [sflag:s12], $0x80  }
0xd1: {  	[sflag:s12] =	ssyncset.done $0x0  }
0xd2: {  	[sflag:s12] =	ssyncadd.s32 $0xFFFFFF80  }
0xd3: {  	_ =	swait.ge [sflag:s12], $0x80  }
0xd4: {  	[sflag:s12] =	ssyncset.done $0x0  }
0xd5: {  	[sflag:s12] =	ssyncadd.s32 $0xFFFFFF80  }
0xd6: {  	_ =	swait.ge [sflag:s12], $0x80  }
0xd7: {  	[sflag:s12] =	ssyncset.done $0x0  }
0xd8: {  	[sflag:s12] =	ssyncadd.s32 $0xFFFFFF80  }
0xd9: {  	_ =	swait.ge [sflag:s12], $0x80  }
0xda: {  	[sflag:s12] =	ssyncset.done $0x0  }
0xdb: {  	[sflag:s12] =	ssyncadd.s32 $0xFFFFFF80  }
0xdc: {  	_ =	swait.ge [sflag:s12], $0x80  }
0xdd: {  	[sflag:s12] =	ssyncset.done $0x0  }
0xde: {  	[sflag:s12] =	ssyncadd.s32 $0xFFFFFF80  }
0xdf: {  	_ =	swait.ge [sflag:s12], $0x80  }
0xe0: {  	[sflag:s12] =	ssyncset.done $0x0  }
0xe1: {  	[sflag:s12] =	ssyncadd.s32 $0xFFFFFF80  }
0xe2: {  	_ =	swait.ge [sflag:s12], $0x80  }
0xe3: {  	[sflag:s12] =	ssyncset.done $0x0  }
0xe4: {  	[sflag:s12] =	ssyncadd.s32 $0xFFFFFF80  }
0xe5: {  	_ =	swait.ge [sflag:s12], $0x80  }
0xe6: {  	[sflag:s12] =	ssyncset.done $0x0  }
0xe7: {  	[sflag:s12] =	ssyncadd.s32 $0xFFFFFF80  }
0xe8: {  	_ =	swait.ge [sflag:s12], $0x80  }
0xe9: {  	[sflag:s12] =	ssyncset.done $0x0  }
0xea: {  	[sflag:s12] =	ssyncadd.s32 $0xFFFFFF80  }
0xeb: {  	_ =	swait.ge [sflag:s12], $0x80  }
0xec: {  	[sflag:s12] =	ssyncset.done $0x0  }
0xed: {  	[sflag:s12] =	ssyncadd.s32 $0xFFFFFF80  }
0xee: {  	_ =	swait.ge [sflag:s12], $0x80  }
0xef: {  	[sflag:s12] =	ssyncset.done $0x0  }
0xf0: {  	[sflag:s12] =	ssyncadd.s32 $0xFFFFFF80  }
0xf1: {  	_ =	swait.ge [sflag:s12], $0x80  }
0xf2: {  	[sflag:s12] =	ssyncset.done $0x0  }
0xf3: {  	[sflag:s12] =	ssyncadd.s32 $0xFFFFFF80  }
0xf4: {  	_ =	swait.ge [sflag:s12], $0x80  }
0xf5: {  	[sflag:s12] =	ssyncset.done $0x0  }
0xf6: {  	[sflag:s12] =	ssyncadd.s32 $0xFFFFFF80  }
0xf7: {  	_ =	swait.ge [sflag:s12], $0x80  }
0xf8: {  	[sflag:s12] =	ssyncset.done $0x0  }
0xf9: {  	[sflag:s12] =	ssyncadd.s32 $0xFFFFFF80  }
.Ltmp1:
0xfa: {  	_ =	swait.ge [sflag:s12], $0x80;
	(pc) =	sbr.rel @p0 .LBB2_4-.Ltmp1, $4  }
0xfb: {  	[sflag:s12] =	ssyncset.done $0x0  }
0xfc: {  	[sflag:s12] =	ssyncadd.s32 $0xFFFFFF80  }
0xfd: {  	_ =	swait.ge [sflag:s12], $0x80  }
0xfe: {  	[sflag:s12] =	ssyncset.done $0x0  }
0xff: {  	[sflag:s12] =	ssyncadd.s32 $0xFFFFFF80  }
0x100: {  	s0 =	simm.s32 $0x0;
	s1 =	rddreg [dreg:$0x6];
	s5 =	simm.s32 $0x400  }
0x101: {  	[hbm4b:s1+s0] =	stream.linear.scatter [tilespmem:s5], [sflag:$0x2], $0x10000, $0x38;
	[tilespmem:$0x10400] =	vst v63  }
0x102: {  	_ =	swait.ge [sflag:s10], $0x10000  }
0x103: {  	[sflag:s10] =	ssyncset.done $0x0  }
0x104: {  	s7 =	simm.s32 $0x200;
	[sflag:s10] =	ssyncadd.s32 $0xFFFF0000  }
0x105: {  	v0 =	vld [tilespmem:s7+$0x0];
	_ =	sdelay $0x4  }
0x106: {  	v1 =	vsel vm3, $0x0, v0  }
0x107: {  	v2 =	vnsel vm0, $0x0, v0;
	v1 =	vxor.u32 $0x80000000, v1  }
0x108: {  	v2 =	vxor.u32 $0x80000000, v2;
	(xrf0) =	vmax.scan.msk.u32 $0xffff, v1;
	v1 =	vsel vm7, $0x0, v0  }
0x109: {  	(xrf0) =	vmax.scan.msk.u32 $0xffff, v2;
	v2 =	vsel vm1, $0x0, v0;
	v1 =	vxor.u32 $0x80000000, v1  }
0x10a: {  	v2 =	vxor.u32 $0x80000000, v2;
	(xrf0) =	vmax.scan.msk.u32 $0xffff, v1;
	v1 =	vsel vm6, $0x0, v0  }
0x10b: {  	(xrf0) =	vmax.scan.msk.u32 $0xffff, v2;
	v2 =	vsel vm2, $0x0, v0;
	v1 =	vxor.u32 $0x80000000, v1  }
0x10c: {  	v2 =	vxor.u32 $0x80000000, v2;
	_ =	sdelay $0x1  }
0x10d: {  	(xrf0) =	vmax.scan.msk.u32 $0xffff, v1;
	v1, _, _ =	vpop (xrf0)  }
0x10e: {  	(xrf0) =	vmax.scan.msk.u32 $0xffff, v2;
	v2, _, _ =	vpop (xrf0);
	(v2sf) =	vpush v1, $0xF  }
0x10f: {  	(v2sf) =	vpush v2, $0xF;
	v1, _, _ =	vpop (xrf0)  }
0x110: {  	(v2sf) =	vpush v1, $0xF;
	_ =	sdelay $0x2  }
0x111: {  	v1 =	vsel vm4, $0x0, v0  }
0x112: {  	v2, _, _ =	vpop (xrf0);
	v1 =	vxor.u32 $0x80000000, v1  }
0x113: {  	v3 =	vsel vm5, $0x0, v0;
	(v2sf) =	vpush v2, $0xF;
	v2, _, _ =	vpop (xrf0);
	(xrf0) =	vmax.scan.msk.u32 $0xffff, v1  }
0x114: {  	(v2sf) =	vpush v2, $0xF;
	v2 =	vxor.u32 $0x80000000, v3;
	v3 =	vsel vm8, $0x0, v0  }
0x115: {  	v1 =	vsel vm9, $0x0, v0;
	v3 =	vxor.u32 $0x80000000, v3;
	(xrf0) =	vmax.scan.msk.u32 $0xffff, v2  }
0x116: {  	v1 =	vxor.u32 $0x80000000, v1;
	v2 =	vsel vm10, $0x0, v0;
	(xrf0) =	vmax.scan.msk.u32 $0xffff, v3  }
0x117: {  	v4, _, _ =	vpop (xrf0);
	v2 =	vxor.u32 $0x80000000, v2;
	v3 =	vsel vm11, $0x0, v0;
	(xrf0) =	vmax.scan.msk.u32 $0xffff, v1  }
0x118: {  	(v2sf) =	vpush v4, $0xF;
	v3 =	vxor.u32 $0x80000000, v3;
	(xrf0) =	vmax.scan.msk.u32 $0xffff, v2  }
0x119: {  	(xrf0) =	vmax.scan.msk.u32 $0xffff, v3;
	v3 =	vsel vm14, $0x0, v0;
	v4, _, _ =	vpop (xrf0)  }
0x11a: {  	v1 =	vsel vm12, $0x0, v0;
	(v2sf) =	vpush v4, $0xF  }
0x11b: {  	v1 =	vxor.u32 $0x80000000, v1;
	s11 =	spop (v2sf)  }
0x11c: {  	(xrf0) =	vmax.scan.msk.u32 $0xffff, v1;
	v1 =	vxor.u32 $0x80000000, v3;
	v3, _, _ =	vpop (xrf0);
	s13 =	spop (v2sf)  }
0x11d: {  	s16 =	simm.s32 $0x2000;
	s15 =	simm.s32 $0x0;
	v2 =	vsel vm13, $0x0, v0;
	s6 =	spop (v2sf);
	(v2sf) =	vpush v3, $0xF  }
0x11e: {  	s21 =	simm.s32 $0x500;
	s18 =	simm.s32 $0x600;
	s25 =	simm.s32 $0x480;
	v2 =	vxor.u32 $0x80000000, v2  }
0x11f: {  	s19 =	simm.s32 $0x680;
	s22 =	simm.s32 $0x700;
	s28 =	simm.s32 $0x580;
	v0 =	vsel vm15, $0x0, v0;
	(xrf0) =	vmax.scan.msk.u32 $0xffff, v2  }
0x120: {  	s20 =	simm.s32 $0xA80;
	s17 =	simm.s32 $0x210;
	s26 =	simm.s32 $0x900;
	v0 =	vxor.u32 $0x80000000, v0;
	v5, _, _ =	vpop (xrf0);
	(xrf0) =	vmax.scan.msk.u32 $0xffff, v1  }
0x121: {  	s24 =	simm.s32 $0x980;
	s23 =	simm.s32 $0xA00;
	s30 =	simm.s32 $0x800;
	v6, _, _ =	vpop (xrf0);
	(xrf0) =	vmax.scan.msk.u32 $0xffff, v0;
	(v2sf) =	vpush v5, $0xF  }
0x122: {  	s29 =	simm.s32 $0x880;
	s31 =	simm.s32 $0x780;
	v7, _, _ =	vpop (xrf0);
	s1 =	sshll.u32 s11, $0x4  }
0x123: {  	s0 =	simm.s32 $0x400;
	v4, _, _ =	vpop (xrf0);
	s5 =	sshll.u32 s13, $0x4;
	s1 =	sand.u32 $0x1FFFFFF0, s1;
	(v2sf) =	vpush v6, $0xF  }
0x124: {  	v3, _, _ =	vpop (xrf0);
	s5 =	sand.u32 $0x1FFFFFF0, s5;
	s7 =	spop (v2sf);
	s11 =	sshll.u32 s6, $0x4  }
0x125: {  	v2, _, _ =	vpop (xrf0);
	s5 =	sadd.s32 s4, s5;
	s6 =	sshll.u32 s7, $0x4;
	s7 =	spop (v2sf)  }
0x126: {  	v1, _, _ =	vpop (xrf0);
	[tilespmem:s0], [sflag:$0x1] =	stream.linear.gather [hbm4b:s5+s2], $0x80, $0x38;
	[tilespmem:$0x10400] =	vst v63  }
0x127: {  	v0, _, _ =	vpop (xrf0);
	s13 =	sand.u32 $0x1FFFFFF0, s6;
	s5 =	sshll.u32 s7, $0x4;
	s6 =	spop (v2sf);
	(v2sf) =	vpush v7, $0xF  }
.LBB2_6:
0x128: {  	s7 =	sadd.s32 s4, s13  }
0x129: {  	s6 =	sshll.u32 s6, $0x4;
	s13 =	spop (v2sf);
	(v2sf) =	vpush v4, $0xF;
	s0 =	smov.u32 s16  }
0x12a: {  	[tilespmem:s25], [sflag:$0x1] =	stream.linear.gather [hbm4b:s7+s2], $0x80, $0x38;
	[tilespmem:$0x10400] =	vst v63  }
0x12b: {  	s5 =	sand.u32 $0x1FFFFFF0, s5;
	s6 =	sand.u32 $0x1FFFFFF0, s6;
	s7 =	sshll.u32 s13, $0x4  }
0x12c: {  	s6 =	sadd.s32 s4, s6;
	s7 =	sand.u32 $0x1FFFFFF0, s7;
	s13 =	spop (v2sf)  }
0x12d: {  	[tilespmem:s21], [sflag:$0x1] =	stream.linear.gather [hbm4b:s6+s2], $0x80, $0x38;
	(v2sf) =	vpush v3, $0xF;
	[tilespmem:$0x10400] =	vst v63  }
0x12e: {  	s1 =	sadd.s32 s4, s1;
	s11 =	sand.u32 $0x1FFFFFF0, s11;
	s6 =	sshll.u32 s13, $0x4  }
0x12f: {  	[tilespmem:s28], [sflag:$0x1] =	stream.linear.gather [hbm4b:s1+s2], $0x80, $0x38;
	(v2sf) =	vpush v2, $0xF;
	[tilespmem:$0x10400] =	vst v63  }
0x130: {  	s6 =	sand.u32 $0x1FFFFFF0, s6;
	s1 =	sadd.s32 s4, s7;
	s7 =	spop (v2sf)  }
0x131: {  	[tilespmem:s18], [sflag:$0x1] =	stream.linear.gather [hbm4b:s1+s2], $0x80, $0x38;
	(v2sf) =	vpush v1, $0xF;
	[tilespmem:$0x10400] =	vst v63  }
0x132: {  	s1 =	sadd.s32 s4, s6;
	s6 =	sshll.u32 s7, $0x4;
	s7 =	spop (v2sf)  }
0x133: {  	[tilespmem:s19], [sflag:$0x1] =	stream.linear.gather [hbm4b:s1+s2], $0x80, $0x38;
	[tilespmem:$0x10400] =	vst v63  }
0x134: {  	s1 =	sadd.s32 s4, s5;
	s5 =	sand.u32 $0x1FFFFFF0, s6;
	s6 =	sshll.u32 s7, $0x4;
	(v2sf) =	vpush v0, $0xF  }
0x135: {  	[tilespmem:s22], [sflag:$0x1] =	stream.linear.gather [hbm4b:s1+s2], $0x80, $0x38;
	[tilespmem:$0x10400] =	vst v63  }
0x136: {  	s6 =	sand.u32 $0x1FFFFFF0, s6;
	s1 =	sadd.s32 s4, s11;
	s7 =	spop (v2sf)  }
0x137: {  	[tilespmem:s31], [sflag:$0x1] =	stream.linear.gather [hbm4b:s1+s2], $0x80, $0x38;
	[tilespmem:$0x10400] =	vst v63  }
0x138: {  	s1 =	sadd.s32 s4, s5;
	s5 =	sshll.u32 s7, $0x4;
	s7 =	spop (v2sf)  }
0x139: {  	[tilespmem:s30], [sflag:$0x1] =	stream.linear.gather [hbm4b:s1+s2], $0x80, $0x38;
	[tilespmem:$0x10400] =	vst v63  }
0x13a: {  	s5 =	sand.u32 $0x1FFFFFF0, s5;
	s1 =	sadd.s32 s4, s6;
	s6 =	sshll.u32 s7, $0x4  }
0x13b: {  	[tilespmem:s29], [sflag:$0x1] =	stream.linear.gather [hbm4b:s1+s2], $0x80, $0x38;
	[tilespmem:$0x10400] =	vst v63  }
0x13c: {  	s1 =	sadd.s32 s4, s5;
	s5 =	sand.u32 $0x1FFFFFF0, s6;
	s6 =	spop (v2sf)  }
0x13d: {  	[tilespmem:s26], [sflag:$0x1] =	stream.linear.gather [hbm4b:s1+s2], $0x80, $0x38;
	[tilespmem:$0x10400] =	vst v63  }
0x13e: {  	s1 =	sadd.s32 s4, s5;
	s5 =	sshll.u32 s6, $0x4;
	s6 =	spop (v2sf)  }
0x13f: {  	[tilespmem:s24], [sflag:$0x1] =	stream.linear.gather [hbm4b:s1+s2], $0x80, $0x38;
	[tilespmem:$0x10400] =	vst v63  }
0x140: {  	s1 =	sand.u32 $0x1FFFFFF0, s5;
	s5 =	sshll.u32 s6, $0x4;
	s6 =	spop (v2sf)  }
0x141: {  	s1 =	sadd.s32 s4, s1;
	s5 =	sand.u32 $0x1FFFFFF0, s5;
	s6 =	sshll.u32 s6, $0x4  }
0x142: {  	[tilespmem:s23], [sflag:$0x1] =	stream.linear.gather [hbm4b:s1+s2], $0x80, $0x38;
	[tilespmem:$0x10400] =	vst v63  }
0x143: {  	s1 =	sadd.s32 s4, s5;
	s5 =	sand.u32 $0x1FFFFFF0, s6;
	s6 =	spop (v2sf)  }
0x144: {  	[tilespmem:s20], [sflag:$0x1] =	stream.linear.gather [hbm4b:s1+s2], $0x80, $0x38;
	[tilespmem:$0x10400] =	vst v63  }
0x145: {  	s5 =	sadd.s32 s4, s5;
	s1 =	sadd.s32 $0xB00, s15;
	s6 =	sshll.u32 s6, $0x4  }
0x146: {  	[tilespmem:s1], [sflag:$0x1] =	stream.linear.gather [hbm4b:s5+s2], $0x80, $0x38;
	[tilespmem:$0x10400] =	vst v63  }
0x147: {  	p0 =	sne.s32 s16, $0x3E000;
	s16 =	sadd.s32 $0x2000, s16;
	s1 =	sand.u32 $0x1FFFFFF0, s6  }
0x148: {  	s5 =	sadd.s32 $0xB80, s15;
	s1 =	sadd.s32 s4, s1  }
0x149: {  	[tilespmem:s5], [sflag:$0x1] =	stream.linear.gather [hbm4b:s1+s2], $0x80, $0x38;
	[tilespmem:$0x10400] =	vst v63  }
0x14a: {  	_ = 	snop  }
0x14b: {  	v0 =	vld [tilespmem:s17+$0x0];
	_ =	sdelay $0x2  }
0x14c: {  	s15 =	sshra.s32 s0, $0x2  }
0x14d: {  	s21 =	sadd.s32 $0x500, s15  }
0x14e: {  	s18 =	sadd.s32 $0x600, s15;
	v1 =	vnsel vm0, $0x0, v0;
	v2 =	vsel vm3, $0x0, v0;
	v3 =	vsel vm14, $0x0, v0  }
0x14f: {  	s0 =	sadd.s32 $0x400, s15;
	s25 =	sadd.s32 $0x480, s15;
	v4 =	vsel vm6, $0x0, v0;
	v5 =	vsel vm13, $0x0, v0;
	v2 =	vxor.u32 $0x80000000, v2  }
0x150: {  	v6 =	vsel vm7, $0x0, v0;
	v1 =	vxor.u32 $0x80000000, v1;
	v3 =	vxor.u32 $0x80000000, v3;
	(xrf0) =	vmax.scan.msk.u32 $0xffff, v2  }
0x151: {  	s19 =	sadd.s32 $0x680, s15;
	v7 =	vsel vm2, $0x0, v0;
	v6 =	vxor.u32 $0x80000000, v6;
	v2 =	vsel vm1, $0x0, v0;
	(xrf0) =	vmax.scan.msk.u32 $0xffff, v1  }
0x152: {  	v8 =	vsel vm5, $0x0, v0;
	v1 =	vxor.u32 $0x80000000, v2;
	v2 =	vsel vm4, $0x0, v0;
	(xrf0) =	vmax.scan.msk.u32 $0xffff, v6  }
0x153: {  	v4 =	vxor.u32 $0x80000000, v4;
	v2 =	vxor.u32 $0x80000000, v2;
	v6 =	vxor.u32 $0x80000000, v8;
	(xrf0) =	vmax.scan.msk.u32 $0xffff, v1  }
0x154: {  	v8 =	vsel vm9, $0x0, v0;
	v1 =	vxor.u32 $0x80000000, v7;
	v7 =	vsel vm8, $0x0, v0;
	(xrf0) =	vmax.scan.msk.u32 $0xffff, v4  }
0x155: {  	v4 =	vxor.u32 $0x80000000, v7;
	v7 =	vxor.u32 $0x80000000, v8;
	v8 =	vsel vm10, $0x0, v0;
	(xrf0) =	vmax.scan.msk.u32 $0xffff, v1  }
0x156: {  	s22 =	sadd.s32 $0x700, s15;
	v11 =	vsel vm12, $0x0, v0;
	v1 =	vxor.u32 $0x80000000, v8;
	v8 =	vsel vm11, $0x0, v0;
	v10, _, _ =	vpop (xrf0);
	(xrf0) =	vmax.scan.msk.u32 $0xffff, v2  }
0x157: {  	s28 =	sadd.s32 $0x580, s15;
	v2 =	vxor.u32 $0x80000000, v8;
	v8 =	vxor.u32 $0x80000000, v11;
	v9, _, _ =	vpop (xrf0);
	(v2sf) =	vpush v10, $0xF;
	(xrf0) =	vmax.scan.msk.u32 $0xffff, v6  }
0x158: {  	v5 =	vxor.u32 $0x80000000, v5;
	v0 =	vsel vm15, $0x0, v0;
	(v2sf) =	vpush v9, $0xF;
	v6, _, _ =	vpop (xrf0);
	(xrf0) =	vmax.scan.msk.u32 $0xffff, v4  }
0x159: {  	v0 =	vxor.u32 $0x80000000, v0;
	v4, _, _ =	vpop (xrf0);
	(v2sf) =	vpush v6, $0xF;
	(xrf0) =	vmax.scan.msk.u32 $0xffff, v7  }
0x15a: {  	(v2sf) =	vpush v4, $0xF;
	v4, _, _ =	vpop (xrf0);
	(xrf0) =	vmax.scan.msk.u32 $0xffff, v1  }
0x15b: {  	v1, _, _ =	vpop (xrf0);
	(v2sf) =	vpush v4, $0xF;
	(xrf0) =	vmax.scan.msk.u32 $0xffff, v2  }
0x15c: {  	(v2sf) =	vpush v1, $0xF;
	v1, _, _ =	vpop (xrf0);
	(xrf0) =	vmax.scan.msk.u32 $0xffff, v8  }
0x15d: {  	v2, _, _ =	vpop (xrf0);
	(xrf0) =	vmax.scan.msk.u32 $0xffff, v5  }
0x15e: {  	(v2sf) =	vpush v1, $0xF;
	v5, _, _ =	vpop (xrf0);
	(xrf0) =	vmax.scan.msk.u32 $0xffff, v3  }
0x15f: {  	v6, _, _ =	vpop (xrf0);
	(xrf0) =	vmax.scan.msk.u32 $0xffff, v0  }
0x160: {  	v7, _, _ =	vpop (xrf0)  }
0x161: {  	(v2sf) =	vpush v2, $0xF;
	v4, _, _ =	vpop (xrf0)  }
0x162: {  	v3, _, _ =	vpop (xrf0)  }
0x163: {  	v2, _, _ =	vpop (xrf0)  }
0x164: {  	s20 =	sadd.s32 $0xA80, s15;
	s17 =	sadd.s32 $0x10, s17;
	v1, _, _ =	vpop (xrf0)  }
0x165: {  	s26 =	sadd.s32 $0x900, s15;
	s24 =	sadd.s32 $0x980, s15;
	s23 =	sadd.s32 $0xA00, s15;
	(v2sf) =	vpush v5, $0xF;
	v0, _, _ =	vpop (xrf0)  }
0x166: {  	s30 =	sadd.s32 $0x800, s15;
	s29 =	sadd.s32 $0x880, s15;
	s1 =	spop (v2sf)  }
0x167: {  	s5 =	spop (v2sf)  }
0x168: {  	s31 =	sadd.s32 $0x780, s15;
	s1 =	sshll.u32 s1, $0x4;
	(v2sf) =	vpush v6, $0xF;
	s5 =	sshll.u32 s5, $0x4  }
.Ltmp2:
0x169: {  	s1 =	sand.u32 $0x1FFFFFF0, s1;
	s6 =	spop (v2sf);
	(pc) =	sbr.rel @p0 .LBB2_6-.Ltmp2, $4  }
0x16a: {  	s5 =	sand.u32 $0x1FFFFFF0, s5;
	s11 =	sshll.u32 s6, $0x4;
	s6 =	spop (v2sf)  }
0x16b: {  	s7 =	sadd.s32 s4, s5;
	s5 =	sshll.u32 s6, $0x4;
	s6 =	spop (v2sf)  }
0x16c: {  	s13 =	sand.u32 $0x1FFFFFF0, s5;
	s5 =	sshll.u32 s6, $0x4;
	s6 =	spop (v2sf);
	(v2sf) =	vpush v7, $0xF  }
0x16d: {  	[tilespmem:s0], [sflag:$0x1] =	stream.linear.gather [hbm4b:s7+s2], $0x80, $0x38;
	[tilespmem:$0x10400] =	vst v63  }
0x16e: {  	s0 =	sadd.s32 s4, s13;
	s6 =	sshll.u32 s6, $0x4  }
0x16f: {  	[tilespmem:s25], [sflag:$0x1] =	stream.linear.gather [hbm4b:s0+s2], $0x80, $0x38;
	[tilespmem:$0x10400] =	vst v63  }
0x170: {  	s7 =	spop (v2sf);
	(v2sf) =	vpush v4, $0xF;
	s5 =	sand.u32 $0x1FFFFFF0, s5;
	s6 =	sand.u32 $0x1FFFFFF0, s6  }
0x171: {  	s13 =	sshll.u32 s7, $0x4;
	s0 =	sadd.s32 s4, s6;
	s16 =	spop (v2sf)  }
0x172: {  	(v2sf) =	vpush v3, $0xF;
	[tilespmem:s21], [sflag:$0x1] =	stream.linear.gather [hbm4b:s0+s2], $0x80, $0x38;
	[tilespmem:$0x10400] =	vst v63  }
0x173: {  	s17 =	sadd.s32 s4, s1;
	s6 =	sand.u32 $0x1FFFFFF0, s13;
	s21 =	sshll.u32 s16, $0x4;
	(v2sf) =	vpush v2, $0xF  }
0x174: {  	[tilespmem:s28], [sflag:$0x1] =	stream.linear.gather [hbm4b:s17+s2], $0x80, $0x38;
	[tilespmem:$0x10400] =	vst v63  }
0x175: {  	s25 =	sand.u32 $0x1FFFFFF0, s11;
	s6 =	sadd.s32 s4, s6;
	s1 =	sand.u32 $0x1FFFFFF0, s21  }
0x176: {  	[tilespmem:s18], [sflag:$0x1] =	stream.linear.gather [hbm4b:s6+s2], $0x80, $0x38;
	[tilespmem:$0x10400] =	vst v63  }
0x177: {  	s21 =	sadd.s32 s4, s25;
	s13 =	sadd.s32 s4, s1;
	s11 =	spop (v2sf);
	(v2sf) =	vpush v1, $0xF  }
0x178: {  	[tilespmem:s19], [sflag:$0x1] =	stream.linear.gather [hbm4b:s13+s2], $0x80, $0x38;
	[tilespmem:$0x10400] =	vst v63  }
0x179: {  	s16 =	sshll.u32 s11, $0x4;
	s18 =	sadd.s32 s4, s5;
	s17 =	spop (v2sf);
	(v2sf) =	vpush v0, $0xF  }
0x17a: {  	[tilespmem:s22], [sflag:$0x1] =	stream.linear.gather [hbm4b:s18+s2], $0x80, $0x38;
	[tilespmem:$0x10400] =	vst v63  }
0x17b: {  	s1 =	sand.u32 $0x1FFFFFF0, s16;
	s19 =	sshll.u32 s17, $0x4;
	s22 =	spop (v2sf)  }
0x17c: {  	[tilespmem:s31], [sflag:$0x1] =	stream.linear.gather [hbm4b:s21+s2], $0x80, $0x38;
	[tilespmem:$0x10400] =	vst v63  }
0x17d: {  	s25 =	sadd.s32 s4, s1;
	s5 =	sand.u32 $0x1FFFFFF0, s19;
	s28 =	sshll.u32 s22, $0x4  }
0x17e: {  	[tilespmem:s30], [sflag:$0x1] =	stream.linear.gather [hbm4b:s25+s2], $0x80, $0x38;
	[tilespmem:$0x10400] =	vst v63  }
0x17f: {  	s5 =	sadd.s32 s4, s5;
	s31 =	spop (v2sf);
	s1 =	sand.u32 $0x1FFFFFF0, s28  }
0x180: {  	[tilespmem:s29], [sflag:$0x1] =	stream.linear.gather [hbm4b:s5+s2], $0x80, $0x38;
	[tilespmem:$0x10400] =	vst v63  }
0x181: {  	s7 =	sshll.u32 s31, $0x4;
	s11 =	sadd.s32 s4, s1;
	s16 =	spop (v2sf)  }
0x182: {  	s13 =	sand.u32 $0x1FFFFFF0, s7;
	s18 =	sshll.u32 s16, $0x4;
	s19 =	spop (v2sf)  }
0x183: {  	[tilespmem:s26], [sflag:$0x1] =	stream.linear.gather [hbm4b:s11+s2], $0x80, $0x38;
	[tilespmem:$0x10400] =	vst v63  }
0x184: {  	s17 =	sadd.s32 s4, s13;
	s21 =	sand.u32 $0x1FFFFFF0, s18;
	s22 =	sshll.u32 s19, $0x4  }
0x185: {  	[tilespmem:s24], [sflag:$0x1] =	stream.linear.gather [hbm4b:s17+s2], $0x80, $0x38;
	[tilespmem:$0x10400] =	vst v63  }
0x186: {  	s0 =	sadd.s32 s4, s21;
	s1 =	sand.u32 $0x1FFFFFF0, s22;
	s24 =	spop (v2sf)  }
0x187: {  	[tilespmem:s23], [sflag:$0x1] =	stream.linear.gather [hbm4b:s0+s2], $0x80, $0x38;
	[tilespmem:$0x10400] =	vst v63  }
0x188: {  	s25 =	sadd.s32 s4, s1;
	s5 =	sshll.u32 s24, $0x4;
	s28 =	spop (v2sf)  }
0x189: {  	[tilespmem:s20], [sflag:$0x1] =	stream.linear.gather [hbm4b:s25+s2], $0x80, $0x38;
	[tilespmem:$0x10400] =	vst v63  }
0x18a: {  	s26 =	sand.u32 $0x1FFFFFF0, s5;
	s5 =	sshll.u32 s28, $0x4  }
0x18b: {  	s29 =	sadd.s32 $0xB00, s15;
	s1 =	sadd.s32 s4, s26;
	s30 =	sand.u32 $0x1FFFFFF0, s5  }
0x18c: {  	[tilespmem:s29], [sflag:$0x1] =	stream.linear.gather [hbm4b:s1+s2], $0x80, $0x38;
	[tilespmem:$0x10400] =	vst v63  }
0x18d: {  	s31 =	sadd.s32 $0xB80, s15;
	s0 =	sadd.s32 s4, s30  }
0x18e: {  	[tilespmem:s31], [sflag:$0x1] =	stream.linear.gather [hbm4b:s0+s2], $0x80, $0x38;
	[tilespmem:$0x10400] =	vst v63  }
0x18f: {  	_ =	swait.ge [sflag:s12], $0x80  }
0x190: {  	[sflag:s12] =	ssyncset.done $0x0  }
0x191: {  	[sflag:s12] =	ssyncadd.s32 $0xFFFFFF80  }
0x192: {  	_ =	swait.ge [sflag:s12], $0x80  }
0x193: {  	[sflag:s12] =	ssyncset.done $0x0  }
0x194: {  	[sflag:s12] =	ssyncadd.s32 $0xFFFFFF80  }
0x195: {  	_ =	swait.ge [sflag:s12], $0x80  }
0x196: {  	[sflag:s12] =	ssyncset.done $0x0  }
0x197: {  	[sflag:s12] =	ssyncadd.s32 $0xFFFFFF80  }
0x198: {  	_ =	swait.ge [sflag:s12], $0x80  }
0x199: {  	[sflag:s12] =	ssyncset.done $0x0  }
0x19a: {  	[sflag:s12] =	ssyncadd.s32 $0xFFFFFF80  }
0x19b: {  	_ =	swait.ge [sflag:s12], $0x80  }
0x19c: {  	[sflag:s12] =	ssyncset.done $0x0  }
0x19d: {  	[sflag:s12] =	ssyncadd.s32 $0xFFFFFF80  }
0x19e: {  	_ =	swait.ge [sflag:s12], $0x80  }
0x19f: {  	[sflag:s12] =	ssyncset.done $0x0  }
0x1a0: {  	[sflag:s12] =	ssyncadd.s32 $0xFFFFFF80  }
0x1a1: {  	_ =	swait.ge [sflag:s12], $0x80  }
0x1a2: {  	[sflag:s12] =	ssyncset.done $0x0  }
0x1a3: {  	[sflag:s12] =	ssyncadd.s32 $0xFFFFFF80  }
0x1a4: {  	_ =	swait.ge [sflag:s12], $0x80  }
0x1a5: {  	[sflag:s12] =	ssyncset.done $0x0  }
0x1a6: {  	[sflag:s12] =	ssyncadd.s32 $0xFFFFFF80  }
0x1a7: {  	_ =	swait.ge [sflag:s12], $0x80  }
0x1a8: {  	[sflag:s12] =	ssyncset.done $0x0  }
0x1a9: {  	[sflag:s12] =	ssyncadd.s32 $0xFFFFFF80  }
0x1aa: {  	_ =	swait.ge [sflag:s12], $0x80  }
0x1ab: {  	[sflag:s12] =	ssyncset.done $0x0  }
0x1ac: {  	[sflag:s12] =	ssyncadd.s32 $0xFFFFFF80  }
0x1ad: {  	_ =	swait.ge [sflag:s12], $0x80  }
0x1ae: {  	[sflag:s12] =	ssyncset.done $0x0  }
0x1af: {  	[sflag:s12] =	ssyncadd.s32 $0xFFFFFF80  }
0x1b0: {  	_ =	swait.ge [sflag:s12], $0x80  }
0x1b1: {  	[sflag:s12] =	ssyncset.done $0x0  }
0x1b2: {  	[sflag:s12] =	ssyncadd.s32 $0xFFFFFF80  }
0x1b3: {  	_ =	swait.ge [sflag:s12], $0x80  }
0x1b4: {  	[sflag:s12] =	ssyncset.done $0x0  }
0x1b5: {  	[sflag:s12] =	ssyncadd.s32 $0xFFFFFF80  }
0x1b6: {  	_ =	swait.ge [sflag:s12], $0x80  }
0x1b7: {  	[sflag:s12] =	ssyncset.done $0x0  }
0x1b8: {  	[sflag:s12] =	ssyncadd.s32 $0xFFFFFF80  }
0x1b9: {  	_ =	swait.ge [sflag:s12], $0x80  }
0x1ba: {  	[sflag:s12] =	ssyncset.done $0x0  }
0x1bb: {  	[sflag:s12] =	ssyncadd.s32 $0xFFFFFF80  }
0x1bc: {  	_ =	swait.ge [sflag:s12], $0x80  }
0x1bd: {  	s0 =	simm.s32 $0x1F;
	[sflag:s12] =	ssyncset.done $0x0  }
.LBB2_8:
0x1be: {  	p0 =	sne.s32 s0, $0x1;
	s0 =	sadd.s32 $0xFFFFFFFF, s0;
	[sflag:s12] =	ssyncadd.s32 $0xFFFFFF80  }
0x1bf: {  	_ =	swait.ge [sflag:s12], $0x80  }
0x1c0: {  	[sflag:s12] =	ssyncset.done $0x0  }
0x1c1: {  	[sflag:s12] =	ssyncadd.s32 $0xFFFFFF80  }
0x1c2: {  	_ =	swait.ge [sflag:s12], $0x80  }
0x1c3: {  	[sflag:s12] =	ssyncset.done $0x0  }
0x1c4: {  	[sflag:s12] =	ssyncadd.s32 $0xFFFFFF80  }
0x1c5: {  	_ =	swait.ge [sflag:s12], $0x80  }
0x1c6: {  	[sflag:s12] =	ssyncset.done $0x0  }
0x1c7: {  	[sflag:s12] =	ssyncadd.s32 $0xFFFFFF80  }
0x1c8: {  	_ =	swait.ge [sflag:s12], $0x80  }
0x1c9: {  	[sflag:s12] =	ssyncset.done $0x0  }
0x1ca: {  	[sflag:s12] =	ssyncadd.s32 $0xFFFFFF80  }
0x1cb: {  	_ =	swait.ge [sflag:s12], $0x80  }
0x1cc: {  	[sflag:s12] =	ssyncset.done $0x0  }
0x1cd: {  	[sflag:s12] =	ssyncadd.s32 $0xFFFFFF80  }
0x1ce: {  	_ =	swait.ge [sflag:s12], $0x80  }
0x1cf: {  	[sflag:s12] =	ssyncset.done $0x0  }
0x1d0: {  	[sflag:s12] =	ssyncadd.s32 $0xFFFFFF80  }
0x1d1: {  	_ =	swait.ge [sflag:s12], $0x80  }
0x1d2: {  	[sflag:s12] =	ssyncset.done $0x0  }
0x1d3: {  	[sflag:s12] =	ssyncadd.s32 $0xFFFFFF80  }
0x1d4: {  	_ =	swait.ge [sflag:s12], $0x80  }
0x1d5: {  	[sflag:s12] =	ssyncset.done $0x0  }
0x1d6: {  	[sflag:s12] =	ssyncadd.s32 $0xFFFFFF80  }
0x1d7: {  	_ =	swait.ge [sflag:s12], $0x80  }
0x1d8: {  	[sflag:s12] =	ssyncset.done $0x0  }
0x1d9: {  	[sflag:s12] =	ssyncadd.s32 $0xFFFFFF80  }
0x1da: {  	_ =	swait.ge [sflag:s12], $0x80  }
0x1db: {  	[sflag:s12] =	ssyncset.done $0x0  }
0x1dc: {  	[sflag:s12] =	ssyncadd.s32 $0xFFFFFF80  }
0x1dd: {  	_ =	swait.ge [sflag:s12], $0x80  }
0x1de: {  	[sflag:s12] =	ssyncset.done $0x0  }
0x1df: {  	[sflag:s12] =	ssyncadd.s32 $0xFFFFFF80  }
0x1e0: {  	_ =	swait.ge [sflag:s12], $0x80  }
0x1e1: {  	[sflag:s12] =	ssyncset.done $0x0  }
0x1e2: {  	[sflag:s12] =	ssyncadd.s32 $0xFFFFFF80  }
0x1e3: {  	_ =	swait.ge [sflag:s12], $0x80  }
0x1e4: {  	[sflag:s12] =	ssyncset.done $0x0  }
0x1e5: {  	[sflag:s12] =	ssyncadd.s32 $0xFFFFFF80  }
0x1e6: {  	_ =	swait.ge [sflag:s12], $0x80  }
0x1e7: {  	[sflag:s12] =	ssyncset.done $0x0  }
0x1e8: {  	[sflag:s12] =	ssyncadd.s32 $0xFFFFFF80  }
.Ltmp3:
0x1e9: {  	_ =	swait.ge [sflag:s12], $0x80;
	(pc) =	sbr.rel @p0 .LBB2_8-.Ltmp3, $4  }
0x1ea: {  	[sflag:s12] =	ssyncset.done $0x0  }
0x1eb: {  	[sflag:s12] =	ssyncadd.s32 $0xFFFFFF80  }
0x1ec: {  	_ =	swait.ge [sflag:s12], $0x80  }
0x1ed: {  	[sflag:s12] =	ssyncset.done $0x0  }
0x1ee: {  	s14 =	sadd.s32 $0x1, s14  }
0x1ef: {  	p0 =	sne.s32 s14, s9  }
.Ltmp4:
0x1f0: {  	[sflag:s12] =	ssyncadd.s32 $0xFFFFFF80;
	s0 =	simm.s32 $0x400;
	(pc) =	sbr.rel @p0 .LBB2_1-.Ltmp4, $4  }
0x1f1: {  	[hbm4b:s8+s2] =	stream.linear.scatter [tilespmem:s0], [sflag:$0x2], $0x10000, $0x38;
	[tilespmem:$0x10400] =	vst v63  }
0x1f2: {  	_ =	swait.ge [sflag:s10], $0x10000  }
0x1f3: {  	[sflag:s10] =	ssyncset.done $0x0  }
0x1f4: {  	[sflag:s10] =	ssyncadd.s32 $0xFFFF0000  }
0x1f5: {  	_ =	sfence.sel $0x180000  }
0x1f6: {  	[bflag:$0x0] =	sbarrier.arrive $0xFFFF  }
0x1f7: {  	_ =	strace $0x90000047  }
0x1f8: {  	s0 =	stileid.u32;
	[bflag:$0x2] =	sbarrier.arrive $0xFFFF  }
0x1f9: {  	p0 =	sne.s32 s0, $0x0;
	s0 =	rddreg [dreg:$0x3]  }
0x1fa: {  	s0 =	sadd.s32 @!p0 $0x100000, s0  }
0x1fb: {  	[sflag:s0] =	ssyncadd.tile.s32 @!p0 $0x1;
	_ =	shalt  }
.Lfunc_end2:
_tile_overlayer_lowered:
.L_overlay_start_2:
0x1fc: {  	(tag) =	ssettag $0x2  }
0x1fd: {  	s0 =	rddreg [dreg:$0x0];
	s2 =	stileid.u32  }
0x1fe: {  	s1 =	rddreg [dreg:$0x1];
	p0 =	sne.s32 s2, $0x0  }
0x1ff: {  	s3 =	rddreg [dreg:$0x2];
	[bflag:$0x3] =	sbarrier.arrive $0xFFFF;
	s2 =	simm.s32 @!p0 $0x1C02  }
0x200: {  	[timem:s3], [sflag:s2] =	dma.local @!p0 [hbm:s0], s1  }
0x201: {  	s0 =	simm.s32 @!p0 $0x2  }
0x202: {  	_ =	swait.ge @!p0 [sflag:s0], s1  }
0x203: {  	s1 =	ssub.s32 @!p0 $0x0, s1;
	[sflag:s0] =	ssyncset.done @!p0 $0x0  }
0x204: {  	[sflag:s0] =	ssyncadd.s32 @!p0 s1  }
0x205: {  	[bflag:$0x3] =	sbarrier.arrive $0xFFFF  }
0x206: {  	_ =	shalt  }

</sc_bundles>
